<compile_context>
chip_gen: v7x
topology: tpu7x:2x2x1
jax: 0.10.2.dev20260603
libtpu: 0.0.44.dev20260713+nightly
codegen_flags: <defaults>
</compile_context>

<pallas_src>
import functools

import jax
import jax.numpy as jnp
from jax import lax
from jax.experimental import pallas as pl
from jax.experimental.pallas import tpu as pltpu
from jax.experimental.pallas import tpu_sc as plsc

_N = 8
_E = 1048576
_NC = 2
_NS = 16
_NW = _NC * _NS
_L = 16
_CH = _E // _NW
_NBINS = _N * _N
_UNROLL = 8
_NP = 4
_P = _CH // _NP


def _sc_edge_histogram(edge_index_2d):
    mesh = plsc.VectorSubcoreMesh(core_axis_name="c", subcore_axis_name="s")

    @functools.partial(
        pl.kernel,
        out_type=jax.ShapeDtypeStruct((_NW * _NBINS,), jnp.float32),
        mesh=mesh,
        scratch_types=[
            pltpu.VMEM((2, _P), jnp.int32),
            pltpu.VMEM((2, _P), jnp.int32),
            pltpu.VMEM((_L * _NBINS,), jnp.float32),
            pltpu.VMEM((_NBINS,), jnp.float32),
            pltpu.SemaphoreType.DMA,
            pltpu.SemaphoreType.DMA,
            pltpu.SemaphoreType.DMA,
            pltpu.SemaphoreType.DMA,
        ],
        compiler_params=pltpu.CompilerParams(needs_layout_passes=False),
    )
    def hist(edge_hbm, out_hbm, rows_v, cols_v, acc_v, cnt_v,
             sr0, sr1, sc0, sc1):
        wid = lax.axis_index("s") * _NC + lax.axis_index("c")
        base = wid * _CH
        sems_r = (sr0, sr1)
        sems_c = (sc0, sc1)

        def start(p):
            slot = p % 2
            off = base + p * _P
            return (
                pltpu.async_copy(edge_hbm.at[0, pl.ds(off, _P)],
                                 rows_v.at[slot], sems_r[slot]),
                pltpu.async_copy(edge_hbm.at[1, pl.ds(off, _P)],
                                 cols_v.at[slot], sems_c[slot]),
            )

        inflight = start(0)

        zeros = jnp.zeros((_L,), jnp.float32)
        for j in range(_NBINS):
            acc_v[pl.ds(j * _L, _L)] = zeros

        lane_base = lax.iota(jnp.int32, _L) * _NBINS
        ones = jnp.ones((_L,), jnp.float32)

        for p in range(_NP):
            cur = inflight
            if p + 1 < _NP:
                inflight = start(p + 1)
            cur[0].wait()
            cur[1].wait()
            slot = p % 2

            def body(i, carry):
                base_i = i * (_L * _UNROLL)
                for u in range(_UNROLL):
                    r = rows_v[slot, pl.ds(base_i + u * _L, _L)]
                    c = cols_v[slot, pl.ds(base_i + u * _L, _L)]
                    addr = lane_base + r * _N + c
                    plsc.addupdate_scatter(acc_v, [addr], ones)
                return carry

            lax.fori_loop(0, _P // (_L * _UNROLL), body, 0)

        for kk in range(_NBINS // _L):
            s = acc_v[pl.ds(kk * _L, _L)]
            for l in range(1, _L):
                s = s + acc_v[pl.ds(l * _NBINS + kk * _L, _L)]
            cnt_v[pl.ds(kk * _L, _L)] = s

        pltpu.sync_copy(cnt_v, out_hbm.at[pl.ds(wid * _NBINS, _NBINS)])

    return hist(edge_index_2d)


def _tc_head(parts, x, W1, b1, W2, b2, W3, b3, Wl1t, bl1, Wl2, bl2):

    def body(p_ref, x_ref, w1_ref, b1_ref, w2_ref, b2_ref, w3_ref, b3_ref,
             wl1_ref, bl1_ref, wl2_ref, bl2_ref, o_ref):
        C = jnp.sum(p_ref[...], axis=0)
        ii = lax.broadcasted_iota(jnp.int32, (_N, _N), 0)
        jj = lax.broadcasted_iota(jnp.int32, (_N, _N), 1)
        C = C + (ii == jj).astype(jnp.float32)
        deg = jnp.sum(C, axis=0, keepdims=True)
        dis = lax.rsqrt(deg)
        Dm = (ii == jj).astype(jnp.float32) * dis

        def dot(a, b, dims):
            return lax.dot_general(a, b, (dims, ((), ())),
                                   preferred_element_type=jnp.float32)

        A = dot(Dm, dot(C, Dm, (((0,), (0,)))), (((1,), (0,))))

        h = dot(x_ref[...], w1_ref[...], (((1,), (1,))))
        h = jnp.maximum(dot(A, h, (((1,), (0,)))) + b1_ref[...], 0.0)
        h = dot(h, w2_ref[...], (((1,), (1,))))
        h = jnp.maximum(dot(A, h, (((1,), (0,)))) + b2_ref[...], 0.0)
        h = dot(h, w3_ref[...], (((1,), (1,))))
        h = jnp.maximum(dot(A, h, (((1,), (0,)))) + b3_ref[...], 0.0)

        lin1 = bl1_ref[...]
        for n in range(_N):
            lin1 = lin1 + dot(h[n:n + 1, :],
                              wl1_ref[n * 16:(n + 1) * 16, :],
                              (((1,), (0,))))
        q = jnp.maximum(lin1, 0.0)
        o_ref[...] = dot(q, wl2_ref[...], (((1,), (1,)))) + bl2_ref[...]

    return pl.pallas_call(
        body,
        out_shape=jax.ShapeDtypeStruct((1, 16), jnp.float32),
    )(parts, x, W1, b1, W2, b2, W3, b3, Wl1t, bl1, Wl2, bl2)


def kernel(x, edge_index, W_c1, b_c1, W_c2, b_c2, W_c3, b_c3,
           W_l1, b_l1, W_l2, b_l2):
    parts = _sc_edge_histogram(edge_index)
    return _tc_head(
        parts.reshape(_NW, _N, _N), x,
        W_c1, b_c1.reshape(1, -1),
        W_c2, b_c2.reshape(1, -1),
        W_c3, b_c3.reshape(1, -1),
        W_l1.T, b_l1.reshape(1, -1),
        W_l2, b_l2.reshape(1, -1),
    )

# --- scband reference (transcript-rebuilt; emitter-appended) ---
"""Pipeline reference for scband-gnn-48515950575687 (READ-ONLY COPY).

The authoritative reference and input builder live on the scoring server;
editing this copy changes nothing except your own understanding.
"""

import jax, jax.numpy as jnp
import numpy as np

N_NODES = 8
N_EDGES = 1048576
D_FEAT = 512


def setup_inputs(seed: int = 0) -> dict:
    key = jax.random.key(seed)
    ks = jax.random.split(key, 12)

    def w(k, shape, fan_in):
        return jax.random.normal(k, shape, dtype=jnp.float32) * (1.0 / np.sqrt(fan_in))

    return {
        "x": jax.random.normal(ks[0], (N_NODES, D_FEAT), dtype=jnp.float32),
        "edge_index": jax.random.randint(ks[1], (2, N_EDGES), 0, N_NODES, dtype=jnp.int32),
        "W_c1": w(ks[2], (4, D_FEAT), D_FEAT),
        "b_c1": jnp.zeros((4,), dtype=jnp.float32),
        "W_c2": w(ks[3], (8, 4), 4),
        "b_c2": jnp.zeros((8,), dtype=jnp.float32),
        "W_c3": w(ks[4], (16, 8), 8),
        "b_c3": jnp.zeros((16,), dtype=jnp.float32),
        "W_l1": w(ks[5], (64, 128), 128),
        "b_l1": w(ks[6], (64,), 128),
        "W_l2": w(ks[7], (16, 64), 64),
        "b_l2": w(ks[8], (16,), 64),
    }


def _gcn_conv(x, edge_index, W, b):
    # GCNConv.forward: add_self_loops -> lin -> sym-normalized scatter-add -> +bias
    N = x.shape[0]
    loops = jnp.arange(N, dtype=edge_index.dtype)
    ei = jnp.concatenate([edge_index, jnp.stack([loops, loops], axis=0)], axis=1)
    h = x @ W.T  # Linear(in, out, bias=False)
    row, col = ei[0], ei[1]
    deg = jnp.zeros((N,), dtype=h.dtype).at[col].add(1.0)
    deg_inv_sqrt = jnp.where(deg > 0, jax.lax.rsqrt(jnp.maximum(deg, 1e-12)), 0.0)
    norm = deg_inv_sqrt[row] * deg_inv_sqrt[col]
    msg = norm[:, None] * h[row]          # message: norm * x_j (gather over edges)
    out = jnp.zeros_like(h).at[col].add(msg)  # aggr='add' scatter to target nodes
    return out + b


def reference(x, edge_index, W_c1, b_c1, W_c2, b_c2, W_c3, b_c3, W_l1, b_l1, W_l2, b_l2):
    h = _gcn_conv(x, edge_index, W_c1, b_c1)
    h = jax.nn.relu(h)
    h = _gcn_conv(h, edge_index, W_c2, b_c2)
    h = jax.nn.relu(h)
    h = _gcn_conv(h, edge_index, W_c3, b_c3)
    h = jax.nn.relu(h)
    h = jnp.reshape(h, (1, -1))  # (1, 8*16) = (1, 128)
    h = h @ W_l1.T + b_l1
    h = jax.nn.relu(h)
    out = h @ W_l2.T + b_l2
    return out

if __name__ == "__main__":
    import jax
    _d = setup_inputs()
    print(jax.jit(kernel)(*tuple(_d.values())))

</pallas_src>

<mosaic_0001>
#map = affine_map<(d0, d1) -> (0, 0)>
#map1 = affine_map<(d0, d1) -> (0)>
module attributes {stable_mosaic.version = 14 : i64} {
  func.func @hist(%arg0: i32, %arg1: i32, %arg2: memref<2x1048576xi32, #tpu.memory_space<hbm>>, %arg3: memref<2048xf32, #tpu.memory_space<hbm>>, %arg4: memref<2x8192xi32, #tpu.memory_space<vmem>>, %arg5: memref<2x8192xi32, #tpu.memory_space<vmem>>, %arg6: memref<1024xf32, #tpu.memory_space<vmem>>, %arg7: memref<64xf32, #tpu.memory_space<vmem>>, %arg8: memref<!tpu.dma_semaphore, #tpu.memory_space<semaphore_mem>>, %arg9: memref<!tpu.dma_semaphore, #tpu.memory_space<semaphore_mem>>, %arg10: memref<!tpu.dma_semaphore, #tpu.memory_space<semaphore_mem>>, %arg11: memref<!tpu.dma_semaphore, #tpu.memory_space<semaphore_mem>>) attributes {dimension_semantics = [#tpu.dimension_semantics<core_parallel>, #tpu.dimension_semantics<subcore_parallel>], iteration_bounds = array<i64: 2, 16>, scalar_prefetch = 0 : i64, scratch_operands = 8 : i64, tpu.core_type = #tpu.core_type<sc_vector_subcore>, window_params = [{transform_indices = #map}, {transform_indices = #map1}]} {
    %mul3A = arith.constant 2 : i32
    %mul3A_0 = arith.muli %arg1, %mul3A : i32
    %add3A = arith.addi %mul3A_0, %arg0 : i32
    %mul3A_1 = arith.constant 32768 : i32
    %mul3A_2 = arith.muli %add3A, %mul3A_1 : i32
    %add3A_3 = arith.constant 0 : i32
    %add3A_4 = arith.addi %mul3A_2, %add3A_3 : i32
    %dma_start3A = arith.constant 0 : i32
    %dma_start3A_5 = arith.constant 0 : i32
    %dma_start3A_6 = arith.constant 0 : i32
    %dma_start3A_7 = tpu.memref_slice %arg4[%dma_start3A_5, %dma_start3A_6] : memref<2x8192xi32, #tpu.memory_space<vmem>> -> memref<1x8192xi32, #tpu.memory_space<vmem>>
    %dma_start3A_8 = tpu.memref_squeeze %dma_start3A_7 : memref<1x8192xi32, #tpu.memory_space<vmem>> -> memref<8192xi32, #tpu.memory_space<vmem>>
    %dma_start3A_9 = tpu.memref_slice %arg2[%dma_start3A, %add3A_4] : memref<2x1048576xi32, #tpu.memory_space<hbm>> -> memref<1x8192xi32, #tpu.memory_space<hbm>>
    %dma_start3A_10 = tpu.memref_squeeze %dma_start3A_9 : memref<1x8192xi32, #tpu.memory_space<hbm>> -> memref<8192xi32, #tpu.memory_space<hbm>>
    %dma_start3A_11 = arith.constant 0 : i32
    %dma_start3A_12 = tpu.memref_slice %arg4[%dma_start3A_5, %dma_start3A_11] : memref<2x8192xi32, #tpu.memory_space<vmem>> -> memref<1x8192xi32, #tpu.memory_space<vmem>>
    %dma_start3A_13 = tpu.memref_squeeze %dma_start3A_12 : memref<1x8192xi32, #tpu.memory_space<vmem>> -> memref<8192xi32, #tpu.memory_space<vmem>>
    %dma_start3A_14 = tpu.memref_slice %arg2[%dma_start3A, %add3A_4] : memref<2x1048576xi32, #tpu.memory_space<hbm>> -> memref<1x8192xi32, #tpu.memory_space<hbm>>
    %dma_start3A_15 = tpu.memref_squeeze %dma_start3A_14 : memref<1x8192xi32, #tpu.memory_space<hbm>> -> memref<8192xi32, #tpu.memory_space<hbm>>
    tpu.enqueue_dma source(%dma_start3A_15 : memref<8192xi32, #tpu.memory_space<hbm>>) target(%dma_start3A_13 : memref<8192xi32, #tpu.memory_space<vmem>>) target_semaphore(%arg8 : memref<!tpu.dma_semaphore, #tpu.memory_space<semaphore_mem>>)
    %dma_start3A_16 = arith.constant 1 : i32
    %dma_start3A_17 = arith.constant 0 : i32
    %dma_start3A_18 = arith.constant 0 : i32
    %dma_start3A_19 = tpu.memref_slice %arg5[%dma_start3A_17, %dma_start3A_18] : memref<2x8192xi32, #tpu.memory_space<vmem>> -> memref<1x8192xi32, #tpu.memory_space<vmem>>
    %dma_start3A_20 = tpu.memref_squeeze %dma_start3A_19 : memref<1x8192xi32, #tpu.memory_space<vmem>> -> memref<8192xi32, #tpu.memory_space<vmem>>
    %dma_start3A_21 = tpu.memref_slice %arg2[%dma_start3A_16, %add3A_4] : memref<2x1048576xi32, #tpu.memory_space<hbm>> -> memref<1x8192xi32, #tpu.memory_space<hbm>>
    %dma_start3A_22 = tpu.memref_squeeze %dma_start3A_21 : memref<1x8192xi32, #tpu.memory_space<hbm>> -> memref<8192xi32, #tpu.memory_space<hbm>>
    %dma_start3A_23 = arith.constant 0 : i32
    %dma_start3A_24 = tpu.memref_slice %arg5[%dma_start3A_17, %dma_start3A_23] : memref<2x8192xi32, #tpu.memory_space<vmem>> -> memref<1x8192xi32, #tpu.memory_space<vmem>>
    %dma_start3A_25 = tpu.memref_squeeze %dma_start3A_24 : memref<1x8192xi32, #tpu.memory_space<vmem>> -> memref<8192xi32, #tpu.memory_space<vmem>>
    %dma_start3A_26 = tpu.memref_slice %arg2[%dma_start3A_16, %add3A_4] : memref<2x1048576xi32, #tpu.memory_space<hbm>> -> memref<1x8192xi32, #tpu.memory_space<hbm>>
    %dma_start3A_27 = tpu.memref_squeeze %dma_start3A_26 : memref<1x8192xi32, #tpu.memory_space<hbm>> -> memref<8192xi32, #tpu.memory_space<hbm>>
    tpu.enqueue_dma source(%dma_start3A_27 : memref<8192xi32, #tpu.memory_space<hbm>>) target(%dma_start3A_25 : memref<8192xi32, #tpu.memory_space<vmem>>) target_semaphore(%arg10 : memref<!tpu.dma_semaphore, #tpu.memory_space<semaphore_mem>>)
    %broadcast_in_dim3A = arith.constant 0.000000e+00 : f32
    %broadcast_in_dim3A_28 = vector.broadcast %broadcast_in_dim3A : f32 to vector<16xf32>
    %swap3A = arith.constant 0 : index
    %swap3A_29 = tpu.vector_load %arg6[%swap3A] {strides = array<i32>} : memref<1024xf32, #tpu.memory_space<vmem>>, vector<16xf32>,
    tpu.vector_store %arg6[%swap3A], %broadcast_in_dim3A_28 {strides = array<i32>} : memref<1024xf32, #tpu.memory_space<vmem>>, vector<16xf32>,
    %swap3A_30 = arith.constant 16 : index
    %swap3A_31 = tpu.vector_load %arg6[%swap3A_30] {strides = array<i32>} : memref<1024xf32, #tpu.memory_space<vmem>>, vector<16xf32>,
    tpu.vector_store %arg6[%swap3A_30], %broadcast_in_dim3A_28 {strides = array<i32>} : memref<1024xf32, #tpu.memory_space<vmem>>, vector<16xf32>,
    %swap3A_32 = arith.constant 32 : index
    %swap3A_33 = tpu.vector_load %arg6[%swap3A_32] {strides = array<i32>} : memref<1024xf32, #tpu.memory_space<vmem>>, vector<16xf32>,
    tpu.vector_store %arg6[%swap3A_32], %broadcast_in_dim3A_28 {strides = array<i32>} : memref<1024xf32, #tpu.memory_space<vmem>>, vector<16xf32>,
    %swap3A_34 = arith.constant 48 : index
    %swap3A_35 = tpu.vector_load %arg6[%swap3A_34] {strides = array<i32>} : memref<1024xf32, #tpu.memory_space<vmem>>, vector<16xf32>,
    tpu.vector_store %arg6[%swap3A_34], %broadcast_in_dim3A_28 {strides = array<i32>} : memref<1024xf32, #tpu.memory_space<vmem>>, vector<16xf32>,
    %swap3A_36 = arith.constant 64 : index
    %swap3A_37 = tpu.vector_load %arg6[%swap3A_36] {strides = array<i32>} : memref<1024xf32, #tpu.memory_space<vmem>>, vector<16xf32>,
    tpu.vector_store %arg6[%swap3A_36], %broadcast_in_dim3A_28 {strides = array<i32>} : memref<1024xf32, #tpu.memory_space<vmem>>, vector<16xf32>,
    %swap3A_38 = arith.constant 80 : index
    %swap3A_39 = tpu.vector_load %arg6[%swap3A_38] {strides = array<i32>} : memref<1024xf32, #tpu.memory_space<vmem>>, vector<16xf32>,
    tpu.vector_store %arg6[%swap3A_38], %broadcast_in_dim3A_28 {strides = array<i32>} : memref<1024xf32, #tpu.memory_space<vmem>>, vector<16xf32>,
    %swap3A_40 = arith.constant 96 : index
    %swap3A_41 = tpu.vector_load %arg6[%swap3A_40] {strides = array<i32>} : memref<1024xf32, #tpu.memory_space<vmem>>, vector<16xf32>,
    tpu.vector_store %arg6[%swap3A_40], %broadcast_in_dim3A_28 {strides = array<i32>} : memref<1024xf32, #tpu.memory_space<vmem>>, vector<16xf32>,
    %swap3A_42 = arith.constant 112 : index
    %swap3A_43 = tpu.vector_load %arg6[%swap3A_42] {strides = array<i32>} : memref<1024xf32, #tpu.memory_space<vmem>>, vector<16xf32>,
    tpu.vector_store %arg6[%swap3A_42], %broadcast_in_dim3A_28 {strides = array<i32>} : memref<1024xf32, #tpu.memory_space<vmem>>, vector<16xf32>,
    %swap3A_44 = arith.constant 128 : index
    %swap3A_45 = tpu.vector_load %arg6[%swap3A_44] {strides = array<i32>} : memref<1024xf32, #tpu.memory_space<vmem>>, vector<16xf32>,
    tpu.vector_store %arg6[%swap3A_44], %broadcast_in_dim3A_28 {strides = array<i32>} : memref<1024xf32, #tpu.memory_space<vmem>>, vector<16xf32>,
    %swap3A_46 = arith.constant 144 : index
    %swap3A_47 = tpu.vector_load %arg6[%swap3A_46] {strides = array<i32>} : memref<1024xf32, #tpu.memory_space<vmem>>, vector<16xf32>,
    tpu.vector_store %arg6[%swap3A_46], %broadcast_in_dim3A_28 {strides = array<i32>} : memref<1024xf32, #tpu.memory_space<vmem>>, vector<16xf32>,
    %swap3A_48 = arith.constant 160 : index
    %swap3A_49 = tpu.vector_load %arg6[%swap3A_48] {strides = array<i32>} : memref<1024xf32, #tpu.memory_space<vmem>>, vector<16xf32>,
    tpu.vector_store %arg6[%swap3A_48], %broadcast_in_dim3A_28 {strides = array<i32>} : memref<1024xf32, #tpu.memory_space<vmem>>, vector<16xf32>,
    %swap3A_50 = arith.constant 176 : index
    %swap3A_51 = tpu.vector_load %arg6[%swap3A_50] {strides = array<i32>} : memref<1024xf32, #tpu.memory_space<vmem>>, vector<16xf32>,
    tpu.vector_store %arg6[%swap3A_50], %broadcast_in_dim3A_28 {strides = array<i32>} : memref<1024xf32, #tpu.memory_space<vmem>>, vector<16xf32>,
    %swap3A_52 = arith.constant 192 : index
    %swap3A_53 = tpu.vector_load %arg6[%swap3A_52] {strides = array<i32>} : memref<1024xf32, #tpu.memory_space<vmem>>, vector<16xf32>,
    tpu.vector_store %arg6[%swap3A_52], %broadcast_in_dim3A_28 {strides = array<i32>} : memref<1024xf32, #tpu.memory_space<vmem>>, vector<16xf32>,
    %swap3A_54 = arith.constant 208 : index
    %swap3A_55 = tpu.vector_load %arg6[%swap3A_54] {strides = array<i32>} : memref<1024xf32, #tpu.memory_space<vmem>>, vector<16xf32>,
    tpu.vector_store %arg6[%swap3A_54], %broadcast_in_dim3A_28 {strides = array<i32>} : memref<1024xf32, #tpu.memory_space<vmem>>, vector<16xf32>,
    %swap3A_56 = arith.constant 224 : index
    %swap3A_57 = tpu.vector_load %arg6[%swap3A_56] {strides = array<i32>} : memref<1024xf32, #tpu.memory_space<vmem>>, vector<16xf32>,
    tpu.vector_store %arg6[%swap3A_56], %broadcast_in_dim3A_28 {strides = array<i32>} : memref<1024xf32, #tpu.memory_space<vmem>>, vector<16xf32>,
    %swap3A_58 = arith.constant 240 : index
    %swap3A_59 = tpu.vector_load %arg6[%swap3A_58] {strides = array<i32>} : memref<1024xf32, #tpu.memory_space<vmem>>, vector<16xf32>,
    tpu.vector_store %arg6[%swap3A_58], %broadcast_in_dim3A_28 {strides = array<i32>} : memref<1024xf32, #tpu.memory_space<vmem>>, vector<16xf32>,
    %swap3A_60 = arith.constant 256 : index
    %swap3A_61 = tpu.vector_load %arg6[%swap3A_60] {strides = array<i32>} : memref<1024xf32, #tpu.memory_space<vmem>>, vector<16xf32>,
    tpu.vector_store %arg6[%swap3A_60], %broadcast_in_dim3A_28 {strides = array<i32>} : memref<1024xf32, #tpu.memory_space<vmem>>, vector<16xf32>,
    %swap3A_62 = arith.constant 272 : index
    %swap3A_63 = tpu.vector_load %arg6[%swap3A_62] {strides = array<i32>} : memref<1024xf32, #tpu.memory_space<vmem>>, vector<16xf32>,
    tpu.vector_store %arg6[%swap3A_62], %broadcast_in_dim3A_28 {strides = array<i32>} : memref<1024xf32, #tpu.memory_space<vmem>>, vector<16xf32>,
    %swap3A_64 = arith.constant 288 : index
    %swap3A_65 = tpu.vector_load %arg6[%swap3A_64] {strides = array<i32>} : memref<1024xf32, #tpu.memory_space<vmem>>, vector<16xf32>,
    tpu.vector_store %arg6[%swap3A_64], %broadcast_in_dim3A_28 {strides = array<i32>} : memref<1024xf32, #tpu.memory_space<vmem>>, vector<16xf32>,
    %swap3A_66 = arith.constant 304 : index
    %swap3A_67 = tpu.vector_load %arg6[%swap3A_66] {strides = array<i32>} : memref<1024xf32, #tpu.memory_space<vmem>>, vector<16xf32>,
    tpu.vector_store %arg6[%swap3A_66], %broadcast_in_dim3A_28 {strides = array<i32>} : memref<1024xf32, #tpu.memory_space<vmem>>, vector<16xf32>,
    %swap3A_68 = arith.constant 320 : index
    %swap3A_69 = tpu.vector_load %arg6[%swap3A_68] {strides = array<i32>} : memref<1024xf32, #tpu.memory_space<vmem>>, vector<16xf32>,
    tpu.vector_store %arg6[%swap3A_68], %broadcast_in_dim3A_28 {strides = array<i32>} : memref<1024xf32, #tpu.memory_space<vmem>>, vector<16xf32>,
    %swap3A_70 = arith.constant 336 : index
    %swap3A_71 = tpu.vector_load %arg6[%swap3A_70] {strides = array<i32>} : memref<1024xf32, #tpu.memory_space<vmem>>, vector<16xf32>,
    tpu.vector_store %arg6[%swap3A_70], %broadcast_in_dim3A_28 {strides = array<i32>} : memref<1024xf32, #tpu.memory_space<vmem>>, vector<16xf32>,
    %swap3A_72 = arith.constant 352 : index
    %swap3A_73 = tpu.vector_load %arg6[%swap3A_72] {strides = array<i32>} : memref<1024xf32, #tpu.memory_space<vmem>>, vector<16xf32>,
    tpu.vector_store %arg6[%swap3A_72], %broadcast_in_dim3A_28 {strides = array<i32>} : memref<1024xf32, #tpu.memory_space<vmem>>, vector<16xf32>,
    %swap3A_74 = arith.constant 368 : index
    %swap3A_75 = tpu.vector_load %arg6[%swap3A_74] {strides = array<i32>} : memref<1024xf32, #tpu.memory_space<vmem>>, vector<16xf32>,
    tpu.vector_store %arg6[%swap3A_74], %broadcast_in_dim3A_28 {strides = array<i32>} : memref<1024xf32, #tpu.memory_space<vmem>>, vector<16xf32>,
    %swap3A_76 = arith.constant 384 : index
    %swap3A_77 = tpu.vector_load %arg6[%swap3A_76] {strides = array<i32>} : memref<1024xf32, #tpu.memory_space<vmem>>, vector<16xf32>,
    tpu.vector_store %arg6[%swap3A_76], %broadcast_in_dim3A_28 {strides = array<i32>} : memref<1024xf32, #tpu.memory_space<vmem>>, vector<16xf32>,
    %swap3A_78 = arith.constant 400 : index
    %swap3A_79 = tpu.vector_load %arg6[%swap3A_78] {strides = array<i32>} : memref<1024xf32, #tpu.memory_space<vmem>>, vector<16xf32>,
    tpu.vector_store %arg6[%swap3A_78], %broadcast_in_dim3A_28 {strides = array<i32>} : memref<1024xf32, #tpu.memory_space<vmem>>, vector<16xf32>,
    %swap3A_80 = arith.constant 416 : index
    %swap3A_81 = tpu.vector_load %arg6[%swap3A_80] {strides = array<i32>} : memref<1024xf32, #tpu.memory_space<vmem>>, vector<16xf32>,
    tpu.vector_store %arg6[%swap3A_80], %broadcast_in_dim3A_28 {strides = array<i32>} : memref<1024xf32, #tpu.memory_space<vmem>>, vector<16xf32>,
    %swap3A_82 = arith.constant 432 : index
    %swap3A_83 = tpu.vector_load %arg6[%swap3A_82] {strides = array<i32>} : memref<1024xf32, #tpu.memory_space<vmem>>, vector<16xf32>,
    tpu.vector_store %arg6[%swap3A_82], %broadcast_in_dim3A_28 {strides = array<i32>} : memref<1024xf32, #tpu.memory_space<vmem>>, vector<16xf32>,
    %swap3A_84 = arith.constant 448 : index
    %swap3A_85 = tpu.vector_load %arg6[%swap3A_84] {strides = array<i32>} : memref<1024xf32, #tpu.memory_space<vmem>>, vector<16xf32>,
    tpu.vector_store %arg6[%swap3A_84], %broadcast_in_dim3A_28 {strides = array<i32>} : memref<1024xf32, #tpu.memory_space<vmem>>, vector<16xf32>,
    %swap3A_86 = arith.constant 464 : index
    %swap3A_87 = tpu.vector_load %arg6[%swap3A_86] {strides = array<i32>} : memref<1024xf32, #tpu.memory_space<vmem>>, vector<16xf32>,
    tpu.vector_store %arg6[%swap3A_86], %broadcast_in_dim3A_28 {strides = array<i32>} : memref<1024xf32, #tpu.memory_space<vmem>>, vector<16xf32>,
    %swap3A_88 = arith.constant 480 : index
    %swap3A_89 = tpu.vector_load %arg6[%swap3A_88] {strides = array<i32>} : memref<1024xf32, #tpu.memory_space<vmem>>, vector<16xf32>,
    tpu.vector_store %arg6[%swap3A_88], %broadcast_in_dim3A_28 {strides = array<i32>} : memref<1024xf32, #tpu.memory_space<vmem>>, vector<16xf32>,
    %swap3A_90 = arith.constant 496 : index
    %swap3A_91 = tpu.vector_load %arg6[%swap3A_90] {strides = array<i32>} : memref<1024xf32, #tpu.memory_space<vmem>>, vector<16xf32>,
    tpu.vector_store %arg6[%swap3A_90], %broadcast_in_dim3A_28 {strides = array<i32>} : memref<1024xf32, #tpu.memory_space<vmem>>, vector<16xf32>,
    %swap3A_92 = arith.constant 512 : index
    %swap3A_93 = tpu.vector_load %arg6[%swap3A_92] {strides = array<i32>} : memref<1024xf32, #tpu.memory_space<vmem>>, vector<16xf32>,
    tpu.vector_store %arg6[%swap3A_92], %broadcast_in_dim3A_28 {strides = array<i32>} : memref<1024xf32, #tpu.memory_space<vmem>>, vector<16xf32>,
    %swap3A_94 = arith.constant 528 : index
    %swap3A_95 = tpu.vector_load %arg6[%swap3A_94] {strides = array<i32>} : memref<1024xf32, #tpu.memory_space<vmem>>, vector<16xf32>,
    tpu.vector_store %arg6[%swap3A_94], %broadcast_in_dim3A_28 {strides = array<i32>} : memref<1024xf32, #tpu.memory_space<vmem>>, vector<16xf32>,
    %swap3A_96 = arith.constant 544 : index
    %swap3A_97 = tpu.vector_load %arg6[%swap3A_96] {strides = array<i32>} : memref<1024xf32, #tpu.memory_space<vmem>>, vector<16xf32>,
    tpu.vector_store %arg6[%swap3A_96], %broadcast_in_dim3A_28 {strides = array<i32>} : memref<1024xf32, #tpu.memory_space<vmem>>, vector<16xf32>,
    %swap3A_98 = arith.constant 560 : index
    %swap3A_99 = tpu.vector_load %arg6[%swap3A_98] {strides = array<i32>} : memref<1024xf32, #tpu.memory_space<vmem>>, vector<16xf32>,
    tpu.vector_store %arg6[%swap3A_98], %broadcast_in_dim3A_28 {strides = array<i32>} : memref<1024xf32, #tpu.memory_space<vmem>>, vector<16xf32>,
    %swap3A_100 = arith.constant 576 : index
    %swap3A_101 = tpu.vector_load %arg6[%swap3A_100] {strides = array<i32>} : memref<1024xf32, #tpu.memory_space<vmem>>, vector<16xf32>,
    tpu.vector_store %arg6[%swap3A_100], %broadcast_in_dim3A_28 {strides = array<i32>} : memref<1024xf32, #tpu.memory_space<vmem>>, vector<16xf32>,
    %swap3A_102 = arith.constant 592 : index
    %swap3A_103 = tpu.vector_load %arg6[%swap3A_102] {strides = array<i32>} : memref<1024xf32, #tpu.memory_space<vmem>>, vector<16xf32>,
    tpu.vector_store %arg6[%swap3A_102], %broadcast_in_dim3A_28 {strides = array<i32>} : memref<1024xf32, #tpu.memory_space<vmem>>, vector<16xf32>,
    %swap3A_104 = arith.constant 608 : index
    %swap3A_105 = tpu.vector_load %arg6[%swap3A_104] {strides = array<i32>} : memref<1024xf32, #tpu.memory_space<vmem>>, vector<16xf32>,
    tpu.vector_store %arg6[%swap3A_104], %broadcast_in_dim3A_28 {strides = array<i32>} : memref<1024xf32, #tpu.memory_space<vmem>>, vector<16xf32>,
    %swap3A_106 = arith.constant 624 : index
    %swap3A_107 = tpu.vector_load %arg6[%swap3A_106] {strides = array<i32>} : memref<1024xf32, #tpu.memory_space<vmem>>, vector<16xf32>,
    tpu.vector_store %arg6[%swap3A_106], %broadcast_in_dim3A_28 {strides = array<i32>} : memref<1024xf32, #tpu.memory_space<vmem>>, vector<16xf32>,
    %swap3A_108 = arith.constant 640 : index
    %swap3A_109 = tpu.vector_load %arg6[%swap3A_108] {strides = array<i32>} : memref<1024xf32, #tpu.memory_space<vmem>>, vector<16xf32>,
    tpu.vector_store %arg6[%swap3A_108], %broadcast_in_dim3A_28 {strides = array<i32>} : memref<1024xf32, #tpu.memory_space<vmem>>, vector<16xf32>,
    %swap3A_110 = arith.constant 656 : index
    %swap3A_111 = tpu.vector_load %arg6[%swap3A_110] {strides = array<i32>} : memref<1024xf32, #tpu.memory_space<vmem>>, vector<16xf32>,
    tpu.vector_store %arg6[%swap3A_110], %broadcast_in_dim3A_28 {strides = array<i32>} : memref<1024xf32, #tpu.memory_space<vmem>>, vector<16xf32>,
    %swap3A_112 = arith.constant 672 : index
    %swap3A_113 = tpu.vector_load %arg6[%swap3A_112] {strides = array<i32>} : memref<1024xf32, #tpu.memory_space<vmem>>, vector<16xf32>,
    tpu.vector_store %arg6[%swap3A_112], %broadcast_in_dim3A_28 {strides = array<i32>} : memref<1024xf32, #tpu.memory_space<vmem>>, vector<16xf32>,
    %swap3A_114 = arith.constant 688 : index
    %swap3A_115 = tpu.vector_load %arg6[%swap3A_114] {strides = array<i32>} : memref<1024xf32, #tpu.memory_space<vmem>>, vector<16xf32>,
    tpu.vector_store %arg6[%swap3A_114], %broadcast_in_dim3A_28 {strides = array<i32>} : memref<1024xf32, #tpu.memory_space<vmem>>, vector<16xf32>,
    %swap3A_116 = arith.constant 704 : index
    %swap3A_117 = tpu.vector_load %arg6[%swap3A_116] {strides = array<i32>} : memref<1024xf32, #tpu.memory_space<vmem>>, vector<16xf32>,
    tpu.vector_store %arg6[%swap3A_116], %broadcast_in_dim3A_28 {strides = array<i32>} : memref<1024xf32, #tpu.memory_space<vmem>>, vector<16xf32>,
    %swap3A_118 = arith.constant 720 : index
    %swap3A_119 = tpu.vector_load %arg6[%swap3A_118] {strides = array<i32>} : memref<1024xf32, #tpu.memory_space<vmem>>, vector<16xf32>,
    tpu.vector_store %arg6[%swap3A_118], %broadcast_in_dim3A_28 {strides = array<i32>} : memref<1024xf32, #tpu.memory_space<vmem>>, vector<16xf32>,
    %swap3A_120 = arith.constant 736 : index
    %swap3A_121 = tpu.vector_load %arg6[%swap3A_120] {strides = array<i32>} : memref<1024xf32, #tpu.memory_space<vmem>>, vector<16xf32>,
    tpu.vector_store %arg6[%swap3A_120], %broadcast_in_dim3A_28 {strides = array<i32>} : memref<1024xf32, #tpu.memory_space<vmem>>, vector<16xf32>,
    %swap3A_122 = arith.constant 752 : index
    %swap3A_123 = tpu.vector_load %arg6[%swap3A_122] {strides = array<i32>} : memref<1024xf32, #tpu.memory_space<vmem>>, vector<16xf32>,
    tpu.vector_store %arg6[%swap3A_122], %broadcast_in_dim3A_28 {strides = array<i32>} : memref<1024xf32, #tpu.memory_space<vmem>>, vector<16xf32>,
    %swap3A_124 = arith.constant 768 : index
    %swap3A_125 = tpu.vector_load %arg6[%swap3A_124] {strides = array<i32>} : memref<1024xf32, #tpu.memory_space<vmem>>, vector<16xf32>,
    tpu.vector_store %arg6[%swap3A_124], %broadcast_in_dim3A_28 {strides = array<i32>} : memref<1024xf32, #tpu.memory_space<vmem>>, vector<16xf32>,
    %swap3A_126 = arith.constant 784 : index
    %swap3A_127 = tpu.vector_load %arg6[%swap3A_126] {strides = array<i32>} : memref<1024xf32, #tpu.memory_space<vmem>>, vector<16xf32>,
    tpu.vector_store %arg6[%swap3A_126], %broadcast_in_dim3A_28 {strides = array<i32>} : memref<1024xf32, #tpu.memory_space<vmem>>, vector<16xf32>,
    %swap3A_128 = arith.constant 800 : index
    %swap3A_129 = tpu.vector_load %arg6[%swap3A_128] {strides = array<i32>} : memref<1024xf32, #tpu.memory_space<vmem>>, vector<16xf32>,
    tpu.vector_store %arg6[%swap3A_128], %broadcast_in_dim3A_28 {strides = array<i32>} : memref<1024xf32, #tpu.memory_space<vmem>>, vector<16xf32>,
    %swap3A_130 = arith.constant 816 : index
    %swap3A_131 = tpu.vector_load %arg6[%swap3A_130] {strides = array<i32>} : memref<1024xf32, #tpu.memory_space<vmem>>, vector<16xf32>,
    tpu.vector_store %arg6[%swap3A_130], %broadcast_in_dim3A_28 {strides = array<i32>} : memref<1024xf32, #tpu.memory_space<vmem>>, vector<16xf32>,
    %swap3A_132 = arith.constant 832 : index
    %swap3A_133 = tpu.vector_load %arg6[%swap3A_132] {strides = array<i32>} : memref<1024xf32, #tpu.memory_space<vmem>>, vector<16xf32>,
    tpu.vector_store %arg6[%swap3A_132], %broadcast_in_dim3A_28 {strides = array<i32>} : memref<1024xf32, #tpu.memory_space<vmem>>, vector<16xf32>,
    %swap3A_134 = arith.constant 848 : index
    %swap3A_135 = tpu.vector_load %arg6[%swap3A_134] {strides = array<i32>} : memref<1024xf32, #tpu.memory_space<vmem>>, vector<16xf32>,
    tpu.vector_store %arg6[%swap3A_134], %broadcast_in_dim3A_28 {strides = array<i32>} : memref<1024xf32, #tpu.memory_space<vmem>>, vector<16xf32>,
    %swap3A_136 = arith.constant 864 : index
    %swap3A_137 = tpu.vector_load %arg6[%swap3A_136] {strides = array<i32>} : memref<1024xf32, #tpu.memory_space<vmem>>, vector<16xf32>,
    tpu.vector_store %arg6[%swap3A_136], %broadcast_in_dim3A_28 {strides = array<i32>} : memref<1024xf32, #tpu.memory_space<vmem>>, vector<16xf32>,
    %swap3A_138 = arith.constant 880 : index
    %swap3A_139 = tpu.vector_load %arg6[%swap3A_138] {strides = array<i32>} : memref<1024xf32, #tpu.memory_space<vmem>>, vector<16xf32>,
    tpu.vector_store %arg6[%swap3A_138], %broadcast_in_dim3A_28 {strides = array<i32>} : memref<1024xf32, #tpu.memory_space<vmem>>, vector<16xf32>,
    %swap3A_140 = arith.constant 896 : index
    %swap3A_141 = tpu.vector_load %arg6[%swap3A_140] {strides = array<i32>} : memref<1024xf32, #tpu.memory_space<vmem>>, vector<16xf32>,
    tpu.vector_store %arg6[%swap3A_140], %broadcast_in_dim3A_28 {strides = array<i32>} : memref<1024xf32, #tpu.memory_space<vmem>>, vector<16xf32>,
    %swap3A_142 = arith.constant 912 : index
    %swap3A_143 = tpu.vector_load %arg6[%swap3A_142] {strides = array<i32>} : memref<1024xf32, #tpu.memory_space<vmem>>, vector<16xf32>,
    tpu.vector_store %arg6[%swap3A_142], %broadcast_in_dim3A_28 {strides = array<i32>} : memref<1024xf32, #tpu.memory_space<vmem>>, vector<16xf32>,
    %swap3A_144 = arith.constant 928 : index
    %swap3A_145 = tpu.vector_load %arg6[%swap3A_144] {strides = array<i32>} : memref<1024xf32, #tpu.memory_space<vmem>>, vector<16xf32>,
    tpu.vector_store %arg6[%swap3A_144], %broadcast_in_dim3A_28 {strides = array<i32>} : memref<1024xf32, #tpu.memory_space<vmem>>, vector<16xf32>,
    %swap3A_146 = arith.constant 944 : index
    %swap3A_147 = tpu.vector_load %arg6[%swap3A_146] {strides = array<i32>} : memref<1024xf32, #tpu.memory_space<vmem>>, vector<16xf32>,
    tpu.vector_store %arg6[%swap3A_146], %broadcast_in_dim3A_28 {strides = array<i32>} : memref<1024xf32, #tpu.memory_space<vmem>>, vector<16xf32>,
    %swap3A_148 = arith.constant 960 : index
    %swap3A_149 = tpu.vector_load %arg6[%swap3A_148] {strides = array<i32>} : memref<1024xf32, #tpu.memory_space<vmem>>, vector<16xf32>,
    tpu.vector_store %arg6[%swap3A_148], %broadcast_in_dim3A_28 {strides = array<i32>} : memref<1024xf32, #tpu.memory_space<vmem>>, vector<16xf32>,
    %swap3A_150 = arith.constant 976 : index
    %swap3A_151 = tpu.vector_load %arg6[%swap3A_150] {strides = array<i32>} : memref<1024xf32, #tpu.memory_space<vmem>>, vector<16xf32>,
    tpu.vector_store %arg6[%swap3A_150], %broadcast_in_dim3A_28 {strides = array<i32>} : memref<1024xf32, #tpu.memory_space<vmem>>, vector<16xf32>,
    %swap3A_152 = arith.constant 992 : index
    %swap3A_153 = tpu.vector_load %arg6[%swap3A_152] {strides = array<i32>} : memref<1024xf32, #tpu.memory_space<vmem>>, vector<16xf32>,
    tpu.vector_store %arg6[%swap3A_152], %broadcast_in_dim3A_28 {strides = array<i32>} : memref<1024xf32, #tpu.memory_space<vmem>>, vector<16xf32>,
    %swap3A_154 = arith.constant 1008 : index
    %swap3A_155 = tpu.vector_load %arg6[%swap3A_154] {strides = array<i32>} : memref<1024xf32, #tpu.memory_space<vmem>>, vector<16xf32>,
    tpu.vector_store %arg6[%swap3A_154], %broadcast_in_dim3A_28 {strides = array<i32>} : memref<1024xf32, #tpu.memory_space<vmem>>, vector<16xf32>,
    %iota3A = tpu.iota {dimensions = array<i32: 0>} : vector<16xi32>
    %mul3A_156 = arith.constant 64 : i32
    %mul3A_157 = vector.broadcast %mul3A_156 : i32 to vector<16xi32>
    %mul3A_158 = arith.muli %iota3A, %mul3A_157 : vector<16xi32>
    %broadcast_in_dim3A_159 = arith.constant 1.000000e+00 : f32
    %broadcast_in_dim3A_160 = vector.broadcast %broadcast_in_dim3A_159 : f32 to vector<16xf32>
    %add3A_161 = arith.constant 8192 : i32
    %add3A_162 = arith.addi %mul3A_2, %add3A_161 : i32
    %dma_start3A_163 = arith.constant 0 : i32
    %dma_start3A_164 = arith.constant 1 : i32
    %dma_start3A_165 = arith.constant 0 : i32
    %dma_start3A_166 = tpu.memref_slice %arg4[%dma_start3A_164, %dma_start3A_165] : memref<2x8192xi32, #tpu.memory_space<vmem>> -> memref<1x8192xi32, #tpu.memory_space<vmem>>
    %dma_start3A_167 = tpu.memref_squeeze %dma_start3A_166 : memref<1x8192xi32, #tpu.memory_space<vmem>> -> memref<8192xi32, #tpu.memory_space<vmem>>
    %dma_start3A_168 = tpu.memref_slice %arg2[%dma_start3A_163, %add3A_162] : memref<2x1048576xi32, #tpu.memory_space<hbm>> -> memref<1x8192xi32, #tpu.memory_space<hbm>>
    %dma_start3A_169 = tpu.memref_squeeze %dma_start3A_168 : memref<1x8192xi32, #tpu.memory_space<hbm>> -> memref<8192xi32, #tpu.memory_space<hbm>>
    %dma_start3A_170 = arith.constant 0 : i32
    %dma_start3A_171 = tpu.memref_slice %arg4[%dma_start3A_164, %dma_start3A_170] : memref<2x8192xi32, #tpu.memory_space<vmem>> -> memref<1x8192xi32, #tpu.memory_space<vmem>>
    %dma_start3A_172 = tpu.memref_squeeze %dma_start3A_171 : memref<1x8192xi32, #tpu.memory_space<vmem>> -> memref<8192xi32, #tpu.memory_space<vmem>>
    %dma_start3A_173 = tpu.memref_slice %arg2[%dma_start3A_163, %add3A_162] : memref<2x1048576xi32, #tpu.memory_space<hbm>> -> memref<1x8192xi32, #tpu.memory_space<hbm>>
    %dma_start3A_174 = tpu.memref_squeeze %dma_start3A_173 : memref<1x8192xi32, #tpu.memory_space<hbm>> -> memref<8192xi32, #tpu.memory_space<hbm>>
    tpu.enqueue_dma source(%dma_start3A_174 : memref<8192xi32, #tpu.memory_space<hbm>>) target(%dma_start3A_172 : memref<8192xi32, #tpu.memory_space<vmem>>) target_semaphore(%arg9 : memref<!tpu.dma_semaphore, #tpu.memory_space<semaphore_mem>>)
    %dma_start3A_175 = arith.constant 1 : i32
    %dma_start3A_176 = arith.constant 1 : i32
    %dma_start3A_177 = arith.constant 0 : i32
    %dma_start3A_178 = tpu.memref_slice %arg5[%dma_start3A_176, %dma_start3A_177] : memref<2x8192xi32, #tpu.memory_space<vmem>> -> memref<1x8192xi32, #tpu.memory_space<vmem>>
    %dma_start3A_179 = tpu.memref_squeeze %dma_start3A_178 : memref<1x8192xi32, #tpu.memory_space<vmem>> -> memref<8192xi32, #tpu.memory_space<vmem>>
    %dma_start3A_180 = tpu.memref_slice %arg2[%dma_start3A_175, %add3A_162] : memref<2x1048576xi32, #tpu.memory_space<hbm>> -> memref<1x8192xi32, #tpu.memory_space<hbm>>
    %dma_start3A_181 = tpu.memref_squeeze %dma_start3A_180 : memref<1x8192xi32, #tpu.memory_space<hbm>> -> memref<8192xi32, #tpu.memory_space<hbm>>
    %dma_start3A_182 = arith.constant 0 : i32
    %dma_start3A_183 = tpu.memref_slice %arg5[%dma_start3A_176, %dma_start3A_182] : memref<2x8192xi32, #tpu.memory_space<vmem>> -> memref<1x8192xi32, #tpu.memory_space<vmem>>
    %dma_start3A_184 = tpu.memref_squeeze %dma_start3A_183 : memref<1x8192xi32, #tpu.memory_space<vmem>> -> memref<8192xi32, #tpu.memory_space<vmem>>
    %dma_start3A_185 = tpu.memref_slice %arg2[%dma_start3A_175, %add3A_162] : memref<2x1048576xi32, #tpu.memory_space<hbm>> -> memref<1x8192xi32, #tpu.memory_space<hbm>>
    %dma_start3A_186 = tpu.memref_squeeze %dma_start3A_185 : memref<1x8192xi32, #tpu.memory_space<hbm>> -> memref<8192xi32, #tpu.memory_space<hbm>>
    tpu.enqueue_dma source(%dma_start3A_186 : memref<8192xi32, #tpu.memory_space<hbm>>) target(%dma_start3A_184 : memref<8192xi32, #tpu.memory_space<vmem>>) target_semaphore(%arg11 : memref<!tpu.dma_semaphore, #tpu.memory_space<semaphore_mem>>)
    %dma_wait3A = arith.constant 0 : i32
    %dma_wait3A_187 = arith.constant 0 : i32
    %dma_wait3A_188 = arith.constant 0 : i32
    %dma_wait3A_189 = tpu.memref_slice %arg4[%dma_wait3A_187, %dma_wait3A_188] : memref<2x8192xi32, #tpu.memory_space<vmem>> -> memref<1x8192xi32, #tpu.memory_space<vmem>>
    %dma_wait3A_190 = tpu.memref_squeeze %dma_wait3A_189 : memref<1x8192xi32, #tpu.memory_space<vmem>> -> memref<8192xi32, #tpu.memory_space<vmem>>
    %dma_wait3A_191 = tpu.memref_slice %arg2[%dma_wait3A, %add3A_4] : memref<2x1048576xi32, #tpu.memory_space<hbm>> -> memref<1x8192xi32, #tpu.memory_space<hbm>>
    %dma_wait3A_192 = tpu.memref_squeeze %dma_wait3A_191 : memref<1x8192xi32, #tpu.memory_space<hbm>> -> memref<8192xi32, #tpu.memory_space<hbm>>
    %dma_wait3A_193 = arith.constant 0 : i32
    %dma_wait3A_194 = tpu.memref_slice %arg4[%dma_wait3A_187, %dma_wait3A_193] : memref<2x8192xi32, #tpu.memory_space<vmem>> -> memref<1x8192xi32, #tpu.memory_space<vmem>>
    %dma_wait3A_195 = tpu.memref_squeeze %dma_wait3A_194 : memref<1x8192xi32, #tpu.memory_space<vmem>> -> memref<8192xi32, #tpu.memory_space<vmem>>
    %dma_wait3A_196 = tpu.memref_slice %arg2[%dma_wait3A, %add3A_4] : memref<2x1048576xi32, #tpu.memory_space<hbm>> -> memref<1x8192xi32, #tpu.memory_space<hbm>>
    %dma_wait3A_197 = tpu.memref_squeeze %dma_wait3A_196 : memref<1x8192xi32, #tpu.memory_space<hbm>> -> memref<8192xi32, #tpu.memory_space<hbm>>
    tpu.wait_dma2 semaphore(%arg8 : memref<!tpu.dma_semaphore, #tpu.memory_space<semaphore_mem>>) src(%dma_wait3A_197 : memref<8192xi32, #tpu.memory_space<hbm>>) dst(%dma_wait3A_195 : memref<8192xi32, #tpu.memory_space<vmem>>)
    %dma_wait3A_198 = arith.constant 1 : i32
    %dma_wait3A_199 = arith.constant 0 : i32
    %dma_wait3A_200 = arith.constant 0 : i32
    %dma_wait3A_201 = tpu.memref_slice %arg5[%dma_wait3A_199, %dma_wait3A_200] : memref<2x8192xi32, #tpu.memory_space<vmem>> -> memref<1x8192xi32, #tpu.memory_space<vmem>>
    %dma_wait3A_202 = tpu.memref_squeeze %dma_wait3A_201 : memref<1x8192xi32, #tpu.memory_space<vmem>> -> memref<8192xi32, #tpu.memory_space<vmem>>
    %dma_wait3A_203 = tpu.memref_slice %arg2[%dma_wait3A_198, %add3A_4] : memref<2x1048576xi32, #tpu.memory_space<hbm>> -> memref<1x8192xi32, #tpu.memory_space<hbm>>
    %dma_wait3A_204 = tpu.memref_squeeze %dma_wait3A_203 : memref<1x8192xi32, #tpu.memory_space<hbm>> -> memref<8192xi32, #tpu.memory_space<hbm>>
    %dma_wait3A_205 = arith.constant 0 : i32
    %dma_wait3A_206 = tpu.memref_slice %arg5[%dma_wait3A_199, %dma_wait3A_205] : memref<2x8192xi32, #tpu.memory_space<vmem>> -> memref<1x8192xi32, #tpu.memory_space<vmem>>
    %dma_wait3A_207 = tpu.memref_squeeze %dma_wait3A_206 : memref<1x8192xi32, #tpu.memory_space<vmem>> -> memref<8192xi32, #tpu.memory_space<vmem>>
    %dma_wait3A_208 = tpu.memref_slice %arg2[%dma_wait3A_198, %add3A_4] : memref<2x1048576xi32, #tpu.memory_space<hbm>> -> memref<1x8192xi32, #tpu.memory_space<hbm>>
    %dma_wait3A_209 = tpu.memref_squeeze %dma_wait3A_208 : memref<1x8192xi32, #tpu.memory_space<hbm>> -> memref<8192xi32, #tpu.memory_space<hbm>>
    tpu.wait_dma2 semaphore(%arg10 : memref<!tpu.dma_semaphore, #tpu.memory_space<semaphore_mem>>) src(%dma_wait3A_209 : memref<8192xi32, #tpu.memory_space<hbm>>) dst(%dma_wait3A_207 : memref<8192xi32, #tpu.memory_space<vmem>>)
    %scan3A = arith.constant 0 : i32
    %scan3A_210 = arith.constant 0 : i32
    %scan3A_211 = arith.constant 64 : i32
    %scan3A_212 = arith.addi %scan3A_210, %scan3A_211 : i32
    %scan3A_213 = arith.constant 1 : i32
    scf.for %scan3A_554 = %scan3A_210 to %scan3A_212 step %scan3A_213  : i32 {
      %mul3A_555 = arith.constant 128 : i32
      %mul3A_556 = arith.muli %scan3A_554, %mul3A_555 : i32
      %add3A_557 = arith.constant 0 : i32
      %add3A_558 = arith.addi %mul3A_556, %add3A_557 : i32
      %get3A_559 = arith.constant 0 : i32
      %get3A_560 = arith.index_cast %get3A_559 : i32 to index
      %get3A_561 = arith.index_cast %add3A_558 : i32 to index
      %get3A_562 = tpu.vector_load %arg4[%get3A_560, %get3A_561] {strides = array<i32>} : memref<2x8192xi32, #tpu.memory_space<vmem>>, vector<16xi32>,
      %add3A_563 = arith.constant 0 : i32
      %add3A_564 = arith.addi %mul3A_556, %add3A_563 : i32
      %get3A_565 = arith.constant 0 : i32
      %get3A_566 = arith.index_cast %get3A_565 : i32 to index
      %get3A_567 = arith.index_cast %add3A_564 : i32 to index
      %get3A_568 = tpu.vector_load %arg5[%get3A_566, %get3A_567] {strides = array<i32>} : memref<2x8192xi32, #tpu.memory_space<vmem>>, vector<16xi32>,
      %mul3A_569 = arith.constant 8 : i32
      %mul3A_570 = vector.broadcast %mul3A_569 : i32 to vector<16xi32>
      %mul3A_571 = arith.muli %get3A_562, %mul3A_570 : vector<16xi32>
      %add3A_572 = arith.addi %mul3A_158, %mul3A_571 : vector<16xi32>
      %add3A_573 = arith.addi %add3A_572, %get3A_568 : vector<16xi32>
      tpu.vector_store_idx %arg6[%add3A_573], %broadcast_in_dim3A_160 {add = true} : memref<1024xf32, #tpu.memory_space<vmem>>[vector<16xi32>], vector<16xf32>,
      %add3A_574 = arith.constant 16 : i32
      %add3A_575 = arith.addi %mul3A_556, %add3A_574 : i32
      %get3A_576 = arith.constant 0 : i32
      %get3A_577 = arith.index_cast %get3A_576 : i32 to index
      %get3A_578 = arith.index_cast %add3A_575 : i32 to index
      %get3A_579 = tpu.vector_load %arg4[%get3A_577, %get3A_578] {strides = array<i32>} : memref<2x8192xi32, #tpu.memory_space<vmem>>, vector<16xi32>,
      %add3A_580 = arith.constant 16 : i32
      %add3A_581 = arith.addi %mul3A_556, %add3A_580 : i32
      %get3A_582 = arith.constant 0 : i32
      %get3A_583 = arith.index_cast %get3A_582 : i32 to index
      %get3A_584 = arith.index_cast %add3A_581 : i32 to index
      %get3A_585 = tpu.vector_load %arg5[%get3A_583, %get3A_584] {strides = array<i32>} : memref<2x8192xi32, #tpu.memory_space<vmem>>, vector<16xi32>,
      %mul3A_586 = arith.constant 8 : i32
      %mul3A_587 = vector.broadcast %mul3A_586 : i32 to vector<16xi32>
      %mul3A_588 = arith.muli %get3A_579, %mul3A_587 : vector<16xi32>
      %add3A_589 = arith.addi %mul3A_158, %mul3A_588 : vector<16xi32>
      %add3A_590 = arith.addi %add3A_589, %get3A_585 : vector<16xi32>
      tpu.vector_store_idx %arg6[%add3A_590], %broadcast_in_dim3A_160 {add = true} : memref<1024xf32, #tpu.memory_space<vmem>>[vector<16xi32>], vector<16xf32>,
      %add3A_591 = arith.constant 32 : i32
      %add3A_592 = arith.addi %mul3A_556, %add3A_591 : i32
      %get3A_593 = arith.constant 0 : i32
      %get3A_594 = arith.index_cast %get3A_593 : i32 to index
      %get3A_595 = arith.index_cast %add3A_592 : i32 to index
      %get3A_596 = tpu.vector_load %arg4[%get3A_594, %get3A_595] {strides = array<i32>} : memref<2x8192xi32, #tpu.memory_space<vmem>>, vector<16xi32>,
      %add3A_597 = arith.constant 32 : i32
      %add3A_598 = arith.addi %mul3A_556, %add3A_597 : i32
      %get3A_599 = arith.constant 0 : i32
      %get3A_600 = arith.index_cast %get3A_599 : i32 to index
      %get3A_601 = arith.index_cast %add3A_598 : i32 to index
      %get3A_602 = tpu.vector_load %arg5[%get3A_600, %get3A_601] {strides = array<i32>} : memref<2x8192xi32, #tpu.memory_space<vmem>>, vector<16xi32>,
      %mul3A_603 = arith.constant 8 : i32
      %mul3A_604 = vector.broadcast %mul3A_603 : i32 to vector<16xi32>
      %mul3A_605 = arith.muli %get3A_596, %mul3A_604 : vector<16xi32>
      %add3A_606 = arith.addi %mul3A_158, %mul3A_605 : vector<16xi32>
      %add3A_607 = arith.addi %add3A_606, %get3A_602 : vector<16xi32>
      tpu.vector_store_idx %arg6[%add3A_607], %broadcast_in_dim3A_160 {add = true} : memref<1024xf32, #tpu.memory_space<vmem>>[vector<16xi32>], vector<16xf32>,
      %add3A_608 = arith.constant 48 : i32
      %add3A_609 = arith.addi %mul3A_556, %add3A_608 : i32
      %get3A_610 = arith.constant 0 : i32
      %get3A_611 = arith.index_cast %get3A_610 : i32 to index
      %get3A_612 = arith.index_cast %add3A_609 : i32 to index
      %get3A_613 = tpu.vector_load %arg4[%get3A_611, %get3A_612] {strides = array<i32>} : memref<2x8192xi32, #tpu.memory_space<vmem>>, vector<16xi32>,
      %add3A_614 = arith.constant 48 : i32
      %add3A_615 = arith.addi %mul3A_556, %add3A_614 : i32
      %get3A_616 = arith.constant 0 : i32
      %get3A_617 = arith.index_cast %get3A_616 : i32 to index
      %get3A_618 = arith.index_cast %add3A_615 : i32 to index
      %get3A_619 = tpu.vector_load %arg5[%get3A_617, %get3A_618] {strides = array<i32>} : memref<2x8192xi32, #tpu.memory_space<vmem>>, vector<16xi32>,
      %mul3A_620 = arith.constant 8 : i32
      %mul3A_621 = vector.broadcast %mul3A_620 : i32 to vector<16xi32>
      %mul3A_622 = arith.muli %get3A_613, %mul3A_621 : vector<16xi32>
      %add3A_623 = arith.addi %mul3A_158, %mul3A_622 : vector<16xi32>
      %add3A_624 = arith.addi %add3A_623, %get3A_619 : vector<16xi32>
      tpu.vector_store_idx %arg6[%add3A_624], %broadcast_in_dim3A_160 {add = true} : memref<1024xf32, #tpu.memory_space<vmem>>[vector<16xi32>], vector<16xf32>,
      %add3A_625 = arith.constant 64 : i32
      %add3A_626 = arith.addi %mul3A_556, %add3A_625 : i32
      %get3A_627 = arith.constant 0 : i32
      %get3A_628 = arith.index_cast %get3A_627 : i32 to index
      %get3A_629 = arith.index_cast %add3A_626 : i32 to index
      %get3A_630 = tpu.vector_load %arg4[%get3A_628, %get3A_629] {strides = array<i32>} : memref<2x8192xi32, #tpu.memory_space<vmem>>, vector<16xi32>,
      %add3A_631 = arith.constant 64 : i32
      %add3A_632 = arith.addi %mul3A_556, %add3A_631 : i32
      %get3A_633 = arith.constant 0 : i32
      %get3A_634 = arith.index_cast %get3A_633 : i32 to index
      %get3A_635 = arith.index_cast %add3A_632 : i32 to index
      %get3A_636 = tpu.vector_load %arg5[%get3A_634, %get3A_635] {strides = array<i32>} : memref<2x8192xi32, #tpu.memory_space<vmem>>, vector<16xi32>,
      %mul3A_637 = arith.constant 8 : i32
      %mul3A_638 = vector.broadcast %mul3A_637 : i32 to vector<16xi32>
      %mul3A_639 = arith.muli %get3A_630, %mul3A_638 : vector<16xi32>
      %add3A_640 = arith.addi %mul3A_158, %mul3A_639 : vector<16xi32>
      %add3A_641 = arith.addi %add3A_640, %get3A_636 : vector<16xi32>
      tpu.vector_store_idx %arg6[%add3A_641], %broadcast_in_dim3A_160 {add = true} : memref<1024xf32, #tpu.memory_space<vmem>>[vector<16xi32>], vector<16xf32>,
      %add3A_642 = arith.constant 80 : i32
      %add3A_643 = arith.addi %mul3A_556, %add3A_642 : i32
      %get3A_644 = arith.constant 0 : i32
      %get3A_645 = arith.index_cast %get3A_644 : i32 to index
      %get3A_646 = arith.index_cast %add3A_643 : i32 to index
      %get3A_647 = tpu.vector_load %arg4[%get3A_645, %get3A_646] {strides = array<i32>} : memref<2x8192xi32, #tpu.memory_space<vmem>>, vector<16xi32>,
      %add3A_648 = arith.constant 80 : i32
      %add3A_649 = arith.addi %mul3A_556, %add3A_648 : i32
      %get3A_650 = arith.constant 0 : i32
      %get3A_651 = arith.index_cast %get3A_650 : i32 to index
      %get3A_652 = arith.index_cast %add3A_649 : i32 to index
      %get3A_653 = tpu.vector_load %arg5[%get3A_651, %get3A_652] {strides = array<i32>} : memref<2x8192xi32, #tpu.memory_space<vmem>>, vector<16xi32>,
      %mul3A_654 = arith.constant 8 : i32
      %mul3A_655 = vector.broadcast %mul3A_654 : i32 to vector<16xi32>
      %mul3A_656 = arith.muli %get3A_647, %mul3A_655 : vector<16xi32>
      %add3A_657 = arith.addi %mul3A_158, %mul3A_656 : vector<16xi32>
      %add3A_658 = arith.addi %add3A_657, %get3A_653 : vector<16xi32>
      tpu.vector_store_idx %arg6[%add3A_658], %broadcast_in_dim3A_160 {add = true} : memref<1024xf32, #tpu.memory_space<vmem>>[vector<16xi32>], vector<16xf32>,
      %add3A_659 = arith.constant 96 : i32
      %add3A_660 = arith.addi %mul3A_556, %add3A_659 : i32
      %get3A_661 = arith.constant 0 : i32
      %get3A_662 = arith.index_cast %get3A_661 : i32 to index
      %get3A_663 = arith.index_cast %add3A_660 : i32 to index
      %get3A_664 = tpu.vector_load %arg4[%get3A_662, %get3A_663] {strides = array<i32>} : memref<2x8192xi32, #tpu.memory_space<vmem>>, vector<16xi32>,
      %add3A_665 = arith.constant 96 : i32
      %add3A_666 = arith.addi %mul3A_556, %add3A_665 : i32
      %get3A_667 = arith.constant 0 : i32
      %get3A_668 = arith.index_cast %get3A_667 : i32 to index
      %get3A_669 = arith.index_cast %add3A_666 : i32 to index
      %get3A_670 = tpu.vector_load %arg5[%get3A_668, %get3A_669] {strides = array<i32>} : memref<2x8192xi32, #tpu.memory_space<vmem>>, vector<16xi32>,
      %mul3A_671 = arith.constant 8 : i32
      %mul3A_672 = vector.broadcast %mul3A_671 : i32 to vector<16xi32>
      %mul3A_673 = arith.muli %get3A_664, %mul3A_672 : vector<16xi32>
      %add3A_674 = arith.addi %mul3A_158, %mul3A_673 : vector<16xi32>
      %add3A_675 = arith.addi %add3A_674, %get3A_670 : vector<16xi32>
      tpu.vector_store_idx %arg6[%add3A_675], %broadcast_in_dim3A_160 {add = true} : memref<1024xf32, #tpu.memory_space<vmem>>[vector<16xi32>], vector<16xf32>,
      %add3A_676 = arith.constant 112 : i32
      %add3A_677 = arith.addi %mul3A_556, %add3A_676 : i32
      %get3A_678 = arith.constant 0 : i32
      %get3A_679 = arith.index_cast %get3A_678 : i32 to index
      %get3A_680 = arith.index_cast %add3A_677 : i32 to index
      %get3A_681 = tpu.vector_load %arg4[%get3A_679, %get3A_680] {strides = array<i32>} : memref<2x8192xi32, #tpu.memory_space<vmem>>, vector<16xi32>,
      %add3A_682 = arith.constant 112 : i32
      %add3A_683 = arith.addi %mul3A_556, %add3A_682 : i32
      %get3A_684 = arith.constant 0 : i32
      %get3A_685 = arith.index_cast %get3A_684 : i32 to index
      %get3A_686 = arith.index_cast %add3A_683 : i32 to index
      %get3A_687 = tpu.vector_load %arg5[%get3A_685, %get3A_686] {strides = array<i32>} : memref<2x8192xi32, #tpu.memory_space<vmem>>, vector<16xi32>,
      %mul3A_688 = arith.constant 8 : i32
      %mul3A_689 = vector.broadcast %mul3A_688 : i32 to vector<16xi32>
      %mul3A_690 = arith.muli %get3A_681, %mul3A_689 : vector<16xi32>
      %add3A_691 = arith.addi %mul3A_158, %mul3A_690 : vector<16xi32>
      %add3A_692 = arith.addi %add3A_691, %get3A_687 : vector<16xi32>
      tpu.vector_store_idx %arg6[%add3A_692], %broadcast_in_dim3A_160 {add = true} : memref<1024xf32, #tpu.memory_space<vmem>>[vector<16xi32>], vector<16xf32>,
    }
    %scan3A_214 = arith.constant 64 : i32
    %add3A_215 = arith.constant 16384 : i32
    %add3A_216 = arith.addi %mul3A_2, %add3A_215 : i32
    %dma_start3A_217 = arith.constant 0 : i32
    %dma_start3A_218 = arith.constant 0 : i32
    %dma_start3A_219 = arith.constant 0 : i32
    %dma_start3A_220 = tpu.memref_slice %arg4[%dma_start3A_218, %dma_start3A_219] : memref<2x8192xi32, #tpu.memory_space<vmem>> -> memref<1x8192xi32, #tpu.memory_space<vmem>>
    %dma_start3A_221 = tpu.memref_squeeze %dma_start3A_220 : memref<1x8192xi32, #tpu.memory_space<vmem>> -> memref<8192xi32, #tpu.memory_space<vmem>>
    %dma_start3A_222 = tpu.memref_slice %arg2[%dma_start3A_217, %add3A_216] : memref<2x1048576xi32, #tpu.memory_space<hbm>> -> memref<1x8192xi32, #tpu.memory_space<hbm>>
    %dma_start3A_223 = tpu.memref_squeeze %dma_start3A_222 : memref<1x8192xi32, #tpu.memory_space<hbm>> -> memref<8192xi32, #tpu.memory_space<hbm>>
    %dma_start3A_224 = arith.constant 0 : i32
    %dma_start3A_225 = tpu.memref_slice %arg4[%dma_start3A_218, %dma_start3A_224] : memref<2x8192xi32, #tpu.memory_space<vmem>> -> memref<1x8192xi32, #tpu.memory_space<vmem>>
    %dma_start3A_226 = tpu.memref_squeeze %dma_start3A_225 : memref<1x8192xi32, #tpu.memory_space<vmem>> -> memref<8192xi32, #tpu.memory_space<vmem>>
    %dma_start3A_227 = tpu.memref_slice %arg2[%dma_start3A_217, %add3A_216] : memref<2x1048576xi32, #tpu.memory_space<hbm>> -> memref<1x8192xi32, #tpu.memory_space<hbm>>
    %dma_start3A_228 = tpu.memref_squeeze %dma_start3A_227 : memref<1x8192xi32, #tpu.memory_space<hbm>> -> memref<8192xi32, #tpu.memory_space<hbm>>
    tpu.enqueue_dma source(%dma_start3A_228 : memref<8192xi32, #tpu.memory_space<hbm>>) target(%dma_start3A_226 : memref<8192xi32, #tpu.memory_space<vmem>>) target_semaphore(%arg8 : memref<!tpu.dma_semaphore, #tpu.memory_space<semaphore_mem>>)
    %dma_start3A_229 = arith.constant 1 : i32
    %dma_start3A_230 = arith.constant 0 : i32
    %dma_start3A_231 = arith.constant 0 : i32
    %dma_start3A_232 = tpu.memref_slice %arg5[%dma_start3A_230, %dma_start3A_231] : memref<2x8192xi32, #tpu.memory_space<vmem>> -> memref<1x8192xi32, #tpu.memory_space<vmem>>
    %dma_start3A_233 = tpu.memref_squeeze %dma_start3A_232 : memref<1x8192xi32, #tpu.memory_space<vmem>> -> memref<8192xi32, #tpu.memory_space<vmem>>
    %dma_start3A_234 = tpu.memref_slice %arg2[%dma_start3A_229, %add3A_216] : memref<2x1048576xi32, #tpu.memory_space<hbm>> -> memref<1x8192xi32, #tpu.memory_space<hbm>>
    %dma_start3A_235 = tpu.memref_squeeze %dma_start3A_234 : memref<1x8192xi32, #tpu.memory_space<hbm>> -> memref<8192xi32, #tpu.memory_space<hbm>>
    %dma_start3A_236 = arith.constant 0 : i32
    %dma_start3A_237 = tpu.memref_slice %arg5[%dma_start3A_230, %dma_start3A_236] : memref<2x8192xi32, #tpu.memory_space<vmem>> -> memref<1x8192xi32, #tpu.memory_space<vmem>>
    %dma_start3A_238 = tpu.memref_squeeze %dma_start3A_237 : memref<1x8192xi32, #tpu.memory_space<vmem>> -> memref<8192xi32, #tpu.memory_space<vmem>>
    %dma_start3A_239 = tpu.memref_slice %arg2[%dma_start3A_229, %add3A_216] : memref<2x1048576xi32, #tpu.memory_space<hbm>> -> memref<1x8192xi32, #tpu.memory_space<hbm>>
    %dma_start3A_240 = tpu.memref_squeeze %dma_start3A_239 : memref<1x8192xi32, #tpu.memory_space<hbm>> -> memref<8192xi32, #tpu.memory_space<hbm>>
    tpu.enqueue_dma source(%dma_start3A_240 : memref<8192xi32, #tpu.memory_space<hbm>>) target(%dma_start3A_238 : memref<8192xi32, #tpu.memory_space<vmem>>) target_semaphore(%arg10 : memref<!tpu.dma_semaphore, #tpu.memory_space<semaphore_mem>>)
    %dma_wait3A_241 = arith.constant 0 : i32
    %dma_wait3A_242 = arith.constant 1 : i32
    %dma_wait3A_243 = arith.constant 0 : i32
    %dma_wait3A_244 = tpu.memref_slice %arg4[%dma_wait3A_242, %dma_wait3A_243] : memref<2x8192xi32, #tpu.memory_space<vmem>> -> memref<1x8192xi32, #tpu.memory_space<vmem>>
    %dma_wait3A_245 = tpu.memref_squeeze %dma_wait3A_244 : memref<1x8192xi32, #tpu.memory_space<vmem>> -> memref<8192xi32, #tpu.memory_space<vmem>>
    %dma_wait3A_246 = tpu.memref_slice %arg2[%dma_wait3A_241, %add3A_162] : memref<2x1048576xi32, #tpu.memory_space<hbm>> -> memref<1x8192xi32, #tpu.memory_space<hbm>>
    %dma_wait3A_247 = tpu.memref_squeeze %dma_wait3A_246 : memref<1x8192xi32, #tpu.memory_space<hbm>> -> memref<8192xi32, #tpu.memory_space<hbm>>
    %dma_wait3A_248 = arith.constant 0 : i32
    %dma_wait3A_249 = tpu.memref_slice %arg4[%dma_wait3A_242, %dma_wait3A_248] : memref<2x8192xi32, #tpu.memory_space<vmem>> -> memref<1x8192xi32, #tpu.memory_space<vmem>>
    %dma_wait3A_250 = tpu.memref_squeeze %dma_wait3A_249 : memref<1x8192xi32, #tpu.memory_space<vmem>> -> memref<8192xi32, #tpu.memory_space<vmem>>
    %dma_wait3A_251 = tpu.memref_slice %arg2[%dma_wait3A_241, %add3A_162] : memref<2x1048576xi32, #tpu.memory_space<hbm>> -> memref<1x8192xi32, #tpu.memory_space<hbm>>
    %dma_wait3A_252 = tpu.memref_squeeze %dma_wait3A_251 : memref<1x8192xi32, #tpu.memory_space<hbm>> -> memref<8192xi32, #tpu.memory_space<hbm>>
    tpu.wait_dma2 semaphore(%arg9 : memref<!tpu.dma_semaphore, #tpu.memory_space<semaphore_mem>>) src(%dma_wait3A_252 : memref<8192xi32, #tpu.memory_space<hbm>>) dst(%dma_wait3A_250 : memref<8192xi32, #tpu.memory_space<vmem>>)
    %dma_wait3A_253 = arith.constant 1 : i32
    %dma_wait3A_254 = arith.constant 1 : i32
    %dma_wait3A_255 = arith.constant 0 : i32
    %dma_wait3A_256 = tpu.memref_slice %arg5[%dma_wait3A_254, %dma_wait3A_255] : memref<2x8192xi32, #tpu.memory_space<vmem>> -> memref<1x8192xi32, #tpu.memory_space<vmem>>
    %dma_wait3A_257 = tpu.memref_squeeze %dma_wait3A_256 : memref<1x8192xi32, #tpu.memory_space<vmem>> -> memref<8192xi32, #tpu.memory_space<vmem>>
    %dma_wait3A_258 = tpu.memref_slice %arg2[%dma_wait3A_253, %add3A_162] : memref<2x1048576xi32, #tpu.memory_space<hbm>> -> memref<1x8192xi32, #tpu.memory_space<hbm>>
    %dma_wait3A_259 = tpu.memref_squeeze %dma_wait3A_258 : memref<1x8192xi32, #tpu.memory_space<hbm>> -> memref<8192xi32, #tpu.memory_space<hbm>>
    %dma_wait3A_260 = arith.constant 0 : i32
    %dma_wait3A_261 = tpu.memref_slice %arg5[%dma_wait3A_254, %dma_wait3A_260] : memref<2x8192xi32, #tpu.memory_space<vmem>> -> memref<1x8192xi32, #tpu.memory_space<vmem>>
    %dma_wait3A_262 = tpu.memref_squeeze %dma_wait3A_261 : memref<1x8192xi32, #tpu.memory_space<vmem>> -> memref<8192xi32, #tpu.memory_space<vmem>>
    %dma_wait3A_263 = tpu.memref_slice %arg2[%dma_wait3A_253, %add3A_162] : memref<2x1048576xi32, #tpu.memory_space<hbm>> -> memref<1x8192xi32, #tpu.memory_space<hbm>>
    %dma_wait3A_264 = tpu.memref_squeeze %dma_wait3A_263 : memref<1x8192xi32, #tpu.memory_space<hbm>> -> memref<8192xi32, #tpu.memory_space<hbm>>
    tpu.wait_dma2 semaphore(%arg11 : memref<!tpu.dma_semaphore, #tpu.memory_space<semaphore_mem>>) src(%dma_wait3A_264 : memref<8192xi32, #tpu.memory_space<hbm>>) dst(%dma_wait3A_262 : memref<8192xi32, #tpu.memory_space<vmem>>)
    %scan3A_265 = arith.constant 0 : i32
    %scan3A_266 = arith.constant 0 : i32
    %scan3A_267 = arith.constant 64 : i32
    %scan3A_268 = arith.addi %scan3A_266, %scan3A_267 : i32
    %scan3A_269 = arith.constant 1 : i32
    scf.for %scan3A_554 = %scan3A_266 to %scan3A_268 step %scan3A_269  : i32 {
      %mul3A_555 = arith.constant 128 : i32
      %mul3A_556 = arith.muli %scan3A_554, %mul3A_555 : i32
      %add3A_557 = arith.constant 0 : i32
      %add3A_558 = arith.addi %mul3A_556, %add3A_557 : i32
      %get3A_559 = arith.constant 1 : i32
      %get3A_560 = arith.index_cast %get3A_559 : i32 to index
      %get3A_561 = arith.index_cast %add3A_558 : i32 to index
      %get3A_562 = tpu.vector_load %arg4[%get3A_560, %get3A_561] {strides = array<i32>} : memref<2x8192xi32, #tpu.memory_space<vmem>>, vector<16xi32>,
      %add3A_563 = arith.constant 0 : i32
      %add3A_564 = arith.addi %mul3A_556, %add3A_563 : i32
      %get3A_565 = arith.constant 1 : i32
      %get3A_566 = arith.index_cast %get3A_565 : i32 to index
      %get3A_567 = arith.index_cast %add3A_564 : i32 to index
      %get3A_568 = tpu.vector_load %arg5[%get3A_566, %get3A_567] {strides = array<i32>} : memref<2x8192xi32, #tpu.memory_space<vmem>>, vector<16xi32>,
      %mul3A_569 = arith.constant 8 : i32
      %mul3A_570 = vector.broadcast %mul3A_569 : i32 to vector<16xi32>
      %mul3A_571 = arith.muli %get3A_562, %mul3A_570 : vector<16xi32>
      %add3A_572 = arith.addi %mul3A_158, %mul3A_571 : vector<16xi32>
      %add3A_573 = arith.addi %add3A_572, %get3A_568 : vector<16xi32>
      tpu.vector_store_idx %arg6[%add3A_573], %broadcast_in_dim3A_160 {add = true} : memref<1024xf32, #tpu.memory_space<vmem>>[vector<16xi32>], vector<16xf32>,
      %add3A_574 = arith.constant 16 : i32
      %add3A_575 = arith.addi %mul3A_556, %add3A_574 : i32
      %get3A_576 = arith.constant 1 : i32
      %get3A_577 = arith.index_cast %get3A_576 : i32 to index
      %get3A_578 = arith.index_cast %add3A_575 : i32 to index
      %get3A_579 = tpu.vector_load %arg4[%get3A_577, %get3A_578] {strides = array<i32>} : memref<2x8192xi32, #tpu.memory_space<vmem>>, vector<16xi32>,
      %add3A_580 = arith.constant 16 : i32
      %add3A_581 = arith.addi %mul3A_556, %add3A_580 : i32
      %get3A_582 = arith.constant 1 : i32
      %get3A_583 = arith.index_cast %get3A_582 : i32 to index
      %get3A_584 = arith.index_cast %add3A_581 : i32 to index
      %get3A_585 = tpu.vector_load %arg5[%get3A_583, %get3A_584] {strides = array<i32>} : memref<2x8192xi32, #tpu.memory_space<vmem>>, vector<16xi32>,
      %mul3A_586 = arith.constant 8 : i32
      %mul3A_587 = vector.broadcast %mul3A_586 : i32 to vector<16xi32>
      %mul3A_588 = arith.muli %get3A_579, %mul3A_587 : vector<16xi32>
      %add3A_589 = arith.addi %mul3A_158, %mul3A_588 : vector<16xi32>
      %add3A_590 = arith.addi %add3A_589, %get3A_585 : vector<16xi32>
      tpu.vector_store_idx %arg6[%add3A_590], %broadcast_in_dim3A_160 {add = true} : memref<1024xf32, #tpu.memory_space<vmem>>[vector<16xi32>], vector<16xf32>,
      %add3A_591 = arith.constant 32 : i32
      %add3A_592 = arith.addi %mul3A_556, %add3A_591 : i32
      %get3A_593 = arith.constant 1 : i32
      %get3A_594 = arith.index_cast %get3A_593 : i32 to index
      %get3A_595 = arith.index_cast %add3A_592 : i32 to index
      %get3A_596 = tpu.vector_load %arg4[%get3A_594, %get3A_595] {strides = array<i32>} : memref<2x8192xi32, #tpu.memory_space<vmem>>, vector<16xi32>,
      %add3A_597 = arith.constant 32 : i32
      %add3A_598 = arith.addi %mul3A_556, %add3A_597 : i32
      %get3A_599 = arith.constant 1 : i32
      %get3A_600 = arith.index_cast %get3A_599 : i32 to index
      %get3A_601 = arith.index_cast %add3A_598 : i32 to index
      %get3A_602 = tpu.vector_load %arg5[%get3A_600, %get3A_601] {strides = array<i32>} : memref<2x8192xi32, #tpu.memory_space<vmem>>, vector<16xi32>,
      %mul3A_603 = arith.constant 8 : i32
      %mul3A_604 = vector.broadcast %mul3A_603 : i32 to vector<16xi32>
      %mul3A_605 = arith.muli %get3A_596, %mul3A_604 : vector<16xi32>
      %add3A_606 = arith.addi %mul3A_158, %mul3A_605 : vector<16xi32>
      %add3A_607 = arith.addi %add3A_606, %get3A_602 : vector<16xi32>
      tpu.vector_store_idx %arg6[%add3A_607], %broadcast_in_dim3A_160 {add = true} : memref<1024xf32, #tpu.memory_space<vmem>>[vector<16xi32>], vector<16xf32>,
      %add3A_608 = arith.constant 48 : i32
      %add3A_609 = arith.addi %mul3A_556, %add3A_608 : i32
      %get3A_610 = arith.constant 1 : i32
      %get3A_611 = arith.index_cast %get3A_610 : i32 to index
      %get3A_612 = arith.index_cast %add3A_609 : i32 to index
      %get3A_613 = tpu.vector_load %arg4[%get3A_611, %get3A_612] {strides = array<i32>} : memref<2x8192xi32, #tpu.memory_space<vmem>>, vector<16xi32>,
      %add3A_614 = arith.constant 48 : i32
      %add3A_615 = arith.addi %mul3A_556, %add3A_614 : i32
      %get3A_616 = arith.constant 1 : i32
      %get3A_617 = arith.index_cast %get3A_616 : i32 to index
      %get3A_618 = arith.index_cast %add3A_615 : i32 to index
      %get3A_619 = tpu.vector_load %arg5[%get3A_617, %get3A_618] {strides = array<i32>} : memref<2x8192xi32, #tpu.memory_space<vmem>>, vector<16xi32>,
      %mul3A_620 = arith.constant 8 : i32
      %mul3A_621 = vector.broadcast %mul3A_620 : i32 to vector<16xi32>
      %mul3A_622 = arith.muli %get3A_613, %mul3A_621 : vector<16xi32>
      %add3A_623 = arith.addi %mul3A_158, %mul3A_622 : vector<16xi32>
      %add3A_624 = arith.addi %add3A_623, %get3A_619 : vector<16xi32>
      tpu.vector_store_idx %arg6[%add3A_624], %broadcast_in_dim3A_160 {add = true} : memref<1024xf32, #tpu.memory_space<vmem>>[vector<16xi32>], vector<16xf32>,
      %add3A_625 = arith.constant 64 : i32
      %add3A_626 = arith.addi %mul3A_556, %add3A_625 : i32
      %get3A_627 = arith.constant 1 : i32
      %get3A_628 = arith.index_cast %get3A_627 : i32 to index
      %get3A_629 = arith.index_cast %add3A_626 : i32 to index
      %get3A_630 = tpu.vector_load %arg4[%get3A_628, %get3A_629] {strides = array<i32>} : memref<2x8192xi32, #tpu.memory_space<vmem>>, vector<16xi32>,
      %add3A_631 = arith.constant 64 : i32
      %add3A_632 = arith.addi %mul3A_556, %add3A_631 : i32
      %get3A_633 = arith.constant 1 : i32
      %get3A_634 = arith.index_cast %get3A_633 : i32 to index
      %get3A_635 = arith.index_cast %add3A_632 : i32 to index
      %get3A_636 = tpu.vector_load %arg5[%get3A_634, %get3A_635] {strides = array<i32>} : memref<2x8192xi32, #tpu.memory_space<vmem>>, vector<16xi32>,
      %mul3A_637 = arith.constant 8 : i32
      %mul3A_638 = vector.broadcast %mul3A_637 : i32 to vector<16xi32>
      %mul3A_639 = arith.muli %get3A_630, %mul3A_638 : vector<16xi32>
      %add3A_640 = arith.addi %mul3A_158, %mul3A_639 : vector<16xi32>
      %add3A_641 = arith.addi %add3A_640, %get3A_636 : vector<16xi32>
      tpu.vector_store_idx %arg6[%add3A_641], %broadcast_in_dim3A_160 {add = true} : memref<1024xf32, #tpu.memory_space<vmem>>[vector<16xi32>], vector<16xf32>,
      %add3A_642 = arith.constant 80 : i32
      %add3A_643 = arith.addi %mul3A_556, %add3A_642 : i32
      %get3A_644 = arith.constant 1 : i32
      %get3A_645 = arith.index_cast %get3A_644 : i32 to index
      %get3A_646 = arith.index_cast %add3A_643 : i32 to index
      %get3A_647 = tpu.vector_load %arg4[%get3A_645, %get3A_646] {strides = array<i32>} : memref<2x8192xi32, #tpu.memory_space<vmem>>, vector<16xi32>,
      %add3A_648 = arith.constant 80 : i32
      %add3A_649 = arith.addi %mul3A_556, %add3A_648 : i32
      %get3A_650 = arith.constant 1 : i32
      %get3A_651 = arith.index_cast %get3A_650 : i32 to index
      %get3A_652 = arith.index_cast %add3A_649 : i32 to index
      %get3A_653 = tpu.vector_load %arg5[%get3A_651, %get3A_652] {strides = array<i32>} : memref<2x8192xi32, #tpu.memory_space<vmem>>, vector<16xi32>,
      %mul3A_654 = arith.constant 8 : i32
      %mul3A_655 = vector.broadcast %mul3A_654 : i32 to vector<16xi32>
      %mul3A_656 = arith.muli %get3A_647, %mul3A_655 : vector<16xi32>
      %add3A_657 = arith.addi %mul3A_158, %mul3A_656 : vector<16xi32>
      %add3A_658 = arith.addi %add3A_657, %get3A_653 : vector<16xi32>
      tpu.vector_store_idx %arg6[%add3A_658], %broadcast_in_dim3A_160 {add = true} : memref<1024xf32, #tpu.memory_space<vmem>>[vector<16xi32>], vector<16xf32>,
      %add3A_659 = arith.constant 96 : i32
      %add3A_660 = arith.addi %mul3A_556, %add3A_659 : i32
      %get3A_661 = arith.constant 1 : i32
      %get3A_662 = arith.index_cast %get3A_661 : i32 to index
      %get3A_663 = arith.index_cast %add3A_660 : i32 to index
      %get3A_664 = tpu.vector_load %arg4[%get3A_662, %get3A_663] {strides = array<i32>} : memref<2x8192xi32, #tpu.memory_space<vmem>>, vector<16xi32>,
      %add3A_665 = arith.constant 96 : i32
      %add3A_666 = arith.addi %mul3A_556, %add3A_665 : i32
      %get3A_667 = arith.constant 1 : i32
      %get3A_668 = arith.index_cast %get3A_667 : i32 to index
      %get3A_669 = arith.index_cast %add3A_666 : i32 to index
      %get3A_670 = tpu.vector_load %arg5[%get3A_668, %get3A_669] {strides = array<i32>} : memref<2x8192xi32, #tpu.memory_space<vmem>>, vector<16xi32>,
      %mul3A_671 = arith.constant 8 : i32
      %mul3A_672 = vector.broadcast %mul3A_671 : i32 to vector<16xi32>
      %mul3A_673 = arith.muli %get3A_664, %mul3A_672 : vector<16xi32>
      %add3A_674 = arith.addi %mul3A_158, %mul3A_673 : vector<16xi32>
      %add3A_675 = arith.addi %add3A_674, %get3A_670 : vector<16xi32>
      tpu.vector_store_idx %arg6[%add3A_675], %broadcast_in_dim3A_160 {add = true} : memref<1024xf32, #tpu.memory_space<vmem>>[vector<16xi32>], vector<16xf32>,
      %add3A_676 = arith.constant 112 : i32
      %add3A_677 = arith.addi %mul3A_556, %add3A_676 : i32
      %get3A_678 = arith.constant 1 : i32
      %get3A_679 = arith.index_cast %get3A_678 : i32 to index
      %get3A_680 = arith.index_cast %add3A_677 : i32 to index
      %get3A_681 = tpu.vector_load %arg4[%get3A_679, %get3A_680] {strides = array<i32>} : memref<2x8192xi32, #tpu.memory_space<vmem>>, vector<16xi32>,
      %add3A_682 = arith.constant 112 : i32
      %add3A_683 = arith.addi %mul3A_556, %add3A_682 : i32
      %get3A_684 = arith.constant 1 : i32
      %get3A_685 = arith.index_cast %get3A_684 : i32 to index
      %get3A_686 = arith.index_cast %add3A_683 : i32 to index
      %get3A_687 = tpu.vector_load %arg5[%get3A_685, %get3A_686] {strides = array<i32>} : memref<2x8192xi32, #tpu.memory_space<vmem>>, vector<16xi32>,
      %mul3A_688 = arith.constant 8 : i32
      %mul3A_689 = vector.broadcast %mul3A_688 : i32 to vector<16xi32>
      %mul3A_690 = arith.muli %get3A_681, %mul3A_689 : vector<16xi32>
      %add3A_691 = arith.addi %mul3A_158, %mul3A_690 : vector<16xi32>
      %add3A_692 = arith.addi %add3A_691, %get3A_687 : vector<16xi32>
      tpu.vector_store_idx %arg6[%add3A_692], %broadcast_in_dim3A_160 {add = true} : memref<1024xf32, #tpu.memory_space<vmem>>[vector<16xi32>], vector<16xf32>,
    }
    %scan3A_270 = arith.constant 64 : i32
    %add3A_271 = arith.constant 24576 : i32
    %add3A_272 = arith.addi %mul3A_2, %add3A_271 : i32
    %dma_start3A_273 = arith.constant 0 : i32
    %dma_start3A_274 = arith.constant 1 : i32
    %dma_start3A_275 = arith.constant 0 : i32
    %dma_start3A_276 = tpu.memref_slice %arg4[%dma_start3A_274, %dma_start3A_275] : memref<2x8192xi32, #tpu.memory_space<vmem>> -> memref<1x8192xi32, #tpu.memory_space<vmem>>
    %dma_start3A_277 = tpu.memref_squeeze %dma_start3A_276 : memref<1x8192xi32, #tpu.memory_space<vmem>> -> memref<8192xi32, #tpu.memory_space<vmem>>
    %dma_start3A_278 = tpu.memref_slice %arg2[%dma_start3A_273, %add3A_272] : memref<2x1048576xi32, #tpu.memory_space<hbm>> -> memref<1x8192xi32, #tpu.memory_space<hbm>>
    %dma_start3A_279 = tpu.memref_squeeze %dma_start3A_278 : memref<1x8192xi32, #tpu.memory_space<hbm>> -> memref<8192xi32, #tpu.memory_space<hbm>>
    %dma_start3A_280 = arith.constant 0 : i32
    %dma_start3A_281 = tpu.memref_slice %arg4[%dma_start3A_274, %dma_start3A_280] : memref<2x8192xi32, #tpu.memory_space<vmem>> -> memref<1x8192xi32, #tpu.memory_space<vmem>>
    %dma_start3A_282 = tpu.memref_squeeze %dma_start3A_281 : memref<1x8192xi32, #tpu.memory_space<vmem>> -> memref<8192xi32, #tpu.memory_space<vmem>>
    %dma_start3A_283 = tpu.memref_slice %arg2[%dma_start3A_273, %add3A_272] : memref<2x1048576xi32, #tpu.memory_space<hbm>> -> memref<1x8192xi32, #tpu.memory_space<hbm>>
    %dma_start3A_284 = tpu.memref_squeeze %dma_start3A_283 : memref<1x8192xi32, #tpu.memory_space<hbm>> -> memref<8192xi32, #tpu.memory_space<hbm>>
    tpu.enqueue_dma source(%dma_start3A_284 : memref<8192xi32, #tpu.memory_space<hbm>>) target(%dma_start3A_282 : memref<8192xi32, #tpu.memory_space<vmem>>) target_semaphore(%arg9 : memref<!tpu.dma_semaphore, #tpu.memory_space<semaphore_mem>>)
    %dma_start3A_285 = arith.constant 1 : i32
    %dma_start3A_286 = arith.constant 1 : i32
    %dma_start3A_287 = arith.constant 0 : i32
    %dma_start3A_288 = tpu.memref_slice %arg5[%dma_start3A_286, %dma_start3A_287] : memref<2x8192xi32, #tpu.memory_space<vmem>> -> memref<1x8192xi32, #tpu.memory_space<vmem>>
    %dma_start3A_289 = tpu.memref_squeeze %dma_start3A_288 : memref<1x8192xi32, #tpu.memory_space<vmem>> -> memref<8192xi32, #tpu.memory_space<vmem>>
    %dma_start3A_290 = tpu.memref_slice %arg2[%dma_start3A_285, %add3A_272] : memref<2x1048576xi32, #tpu.memory_space<hbm>> -> memref<1x8192xi32, #tpu.memory_space<hbm>>
    %dma_start3A_291 = tpu.memref_squeeze %dma_start3A_290 : memref<1x8192xi32, #tpu.memory_space<hbm>> -> memref<8192xi32, #tpu.memory_space<hbm>>
    %dma_start3A_292 = arith.constant 0 : i32
    %dma_start3A_293 = tpu.memref_slice %arg5[%dma_start3A_286, %dma_start3A_292] : memref<2x8192xi32, #tpu.memory_space<vmem>> -> memref<1x8192xi32, #tpu.memory_space<vmem>>
    %dma_start3A_294 = tpu.memref_squeeze %dma_start3A_293 : memref<1x8192xi32, #tpu.memory_space<vmem>> -> memref<8192xi32, #tpu.memory_space<vmem>>
    %dma_start3A_295 = tpu.memref_slice %arg2[%dma_start3A_285, %add3A_272] : memref<2x1048576xi32, #tpu.memory_space<hbm>> -> memref<1x8192xi32, #tpu.memory_space<hbm>>
    %dma_start3A_296 = tpu.memref_squeeze %dma_start3A_295 : memref<1x8192xi32, #tpu.memory_space<hbm>> -> memref<8192xi32, #tpu.memory_space<hbm>>
    tpu.enqueue_dma source(%dma_start3A_296 : memref<8192xi32, #tpu.memory_space<hbm>>) target(%dma_start3A_294 : memref<8192xi32, #tpu.memory_space<vmem>>) target_semaphore(%arg11 : memref<!tpu.dma_semaphore, #tpu.memory_space<semaphore_mem>>)
    %dma_wait3A_297 = arith.constant 0 : i32
    %dma_wait3A_298 = arith.constant 0 : i32
    %dma_wait3A_299 = arith.constant 0 : i32
    %dma_wait3A_300 = tpu.memref_slice %arg4[%dma_wait3A_298, %dma_wait3A_299] : memref<2x8192xi32, #tpu.memory_space<vmem>> -> memref<1x8192xi32, #tpu.memory_space<vmem>>
    %dma_wait3A_301 = tpu.memref_squeeze %dma_wait3A_300 : memref<1x8192xi32, #tpu.memory_space<vmem>> -> memref<8192xi32, #tpu.memory_space<vmem>>
    %dma_wait3A_302 = tpu.memref_slice %arg2[%dma_wait3A_297, %add3A_216] : memref<2x1048576xi32, #tpu.memory_space<hbm>> -> memref<1x8192xi32, #tpu.memory_space<hbm>>
    %dma_wait3A_303 = tpu.memref_squeeze %dma_wait3A_302 : memref<1x8192xi32, #tpu.memory_space<hbm>> -> memref<8192xi32, #tpu.memory_space<hbm>>
    %dma_wait3A_304 = arith.constant 0 : i32
    %dma_wait3A_305 = tpu.memref_slice %arg4[%dma_wait3A_298, %dma_wait3A_304] : memref<2x8192xi32, #tpu.memory_space<vmem>> -> memref<1x8192xi32, #tpu.memory_space<vmem>>
    %dma_wait3A_306 = tpu.memref_squeeze %dma_wait3A_305 : memref<1x8192xi32, #tpu.memory_space<vmem>> -> memref<8192xi32, #tpu.memory_space<vmem>>
    %dma_wait3A_307 = tpu.memref_slice %arg2[%dma_wait3A_297, %add3A_216] : memref<2x1048576xi32, #tpu.memory_space<hbm>> -> memref<1x8192xi32, #tpu.memory_space<hbm>>
    %dma_wait3A_308 = tpu.memref_squeeze %dma_wait3A_307 : memref<1x8192xi32, #tpu.memory_space<hbm>> -> memref<8192xi32, #tpu.memory_space<hbm>>
    tpu.wait_dma2 semaphore(%arg8 : memref<!tpu.dma_semaphore, #tpu.memory_space<semaphore_mem>>) src(%dma_wait3A_308 : memref<8192xi32, #tpu.memory_space<hbm>>) dst(%dma_wait3A_306 : memref<8192xi32, #tpu.memory_space<vmem>>)
    %dma_wait3A_309 = arith.constant 1 : i32
    %dma_wait3A_310 = arith.constant 0 : i32
    %dma_wait3A_311 = arith.constant 0 : i32
    %dma_wait3A_312 = tpu.memref_slice %arg5[%dma_wait3A_310, %dma_wait3A_311] : memref<2x8192xi32, #tpu.memory_space<vmem>> -> memref<1x8192xi32, #tpu.memory_space<vmem>>
    %dma_wait3A_313 = tpu.memref_squeeze %dma_wait3A_312 : memref<1x8192xi32, #tpu.memory_space<vmem>> -> memref<8192xi32, #tpu.memory_space<vmem>>
    %dma_wait3A_314 = tpu.memref_slice %arg2[%dma_wait3A_309, %add3A_216] : memref<2x1048576xi32, #tpu.memory_space<hbm>> -> memref<1x8192xi32, #tpu.memory_space<hbm>>
    %dma_wait3A_315 = tpu.memref_squeeze %dma_wait3A_314 : memref<1x8192xi32, #tpu.memory_space<hbm>> -> memref<8192xi32, #tpu.memory_space<hbm>>
    %dma_wait3A_316 = arith.constant 0 : i32
    %dma_wait3A_317 = tpu.memref_slice %arg5[%dma_wait3A_310, %dma_wait3A_316] : memref<2x8192xi32, #tpu.memory_space<vmem>> -> memref<1x8192xi32, #tpu.memory_space<vmem>>
    %dma_wait3A_318 = tpu.memref_squeeze %dma_wait3A_317 : memref<1x8192xi32, #tpu.memory_space<vmem>> -> memref<8192xi32, #tpu.memory_space<vmem>>
    %dma_wait3A_319 = tpu.memref_slice %arg2[%dma_wait3A_309, %add3A_216] : memref<2x1048576xi32, #tpu.memory_space<hbm>> -> memref<1x8192xi32, #tpu.memory_space<hbm>>
    %dma_wait3A_320 = tpu.memref_squeeze %dma_wait3A_319 : memref<1x8192xi32, #tpu.memory_space<hbm>> -> memref<8192xi32, #tpu.memory_space<hbm>>
    tpu.wait_dma2 semaphore(%arg10 : memref<!tpu.dma_semaphore, #tpu.memory_space<semaphore_mem>>) src(%dma_wait3A_320 : memref<8192xi32, #tpu.memory_space<hbm>>) dst(%dma_wait3A_318 : memref<8192xi32, #tpu.memory_space<vmem>>)
    %scan3A_321 = arith.constant 0 : i32
    %scan3A_322 = arith.constant 0 : i32
    %scan3A_323 = arith.constant 64 : i32
    %scan3A_324 = arith.addi %scan3A_322, %scan3A_323 : i32
    %scan3A_325 = arith.constant 1 : i32
    scf.for %scan3A_554 = %scan3A_322 to %scan3A_324 step %scan3A_325  : i32 {
      %mul3A_555 = arith.constant 128 : i32
      %mul3A_556 = arith.muli %scan3A_554, %mul3A_555 : i32
      %add3A_557 = arith.constant 0 : i32
      %add3A_558 = arith.addi %mul3A_556, %add3A_557 : i32
      %get3A_559 = arith.constant 0 : i32
      %get3A_560 = arith.index_cast %get3A_559 : i32 to index
      %get3A_561 = arith.index_cast %add3A_558 : i32 to index
      %get3A_562 = tpu.vector_load %arg4[%get3A_560, %get3A_561] {strides = array<i32>} : memref<2x8192xi32, #tpu.memory_space<vmem>>, vector<16xi32>,
      %add3A_563 = arith.constant 0 : i32
      %add3A_564 = arith.addi %mul3A_556, %add3A_563 : i32
      %get3A_565 = arith.constant 0 : i32
      %get3A_566 = arith.index_cast %get3A_565 : i32 to index
      %get3A_567 = arith.index_cast %add3A_564 : i32 to index
      %get3A_568 = tpu.vector_load %arg5[%get3A_566, %get3A_567] {strides = array<i32>} : memref<2x8192xi32, #tpu.memory_space<vmem>>, vector<16xi32>,
      %mul3A_569 = arith.constant 8 : i32
      %mul3A_570 = vector.broadcast %mul3A_569 : i32 to vector<16xi32>
      %mul3A_571 = arith.muli %get3A_562, %mul3A_570 : vector<16xi32>
      %add3A_572 = arith.addi %mul3A_158, %mul3A_571 : vector<16xi32>
      %add3A_573 = arith.addi %add3A_572, %get3A_568 : vector<16xi32>
      tpu.vector_store_idx %arg6[%add3A_573], %broadcast_in_dim3A_160 {add = true} : memref<1024xf32, #tpu.memory_space<vmem>>[vector<16xi32>], vector<16xf32>,
      %add3A_574 = arith.constant 16 : i32
      %add3A_575 = arith.addi %mul3A_556, %add3A_574 : i32
      %get3A_576 = arith.constant 0 : i32
      %get3A_577 = arith.index_cast %get3A_576 : i32 to index
      %get3A_578 = arith.index_cast %add3A_575 : i32 to index
      %get3A_579 = tpu.vector_load %arg4[%get3A_577, %get3A_578] {strides = array<i32>} : memref<2x8192xi32, #tpu.memory_space<vmem>>, vector<16xi32>,
      %add3A_580 = arith.constant 16 : i32
      %add3A_581 = arith.addi %mul3A_556, %add3A_580 : i32
      %get3A_582 = arith.constant 0 : i32
      %get3A_583 = arith.index_cast %get3A_582 : i32 to index
      %get3A_584 = arith.index_cast %add3A_581 : i32 to index
      %get3A_585 = tpu.vector_load %arg5[%get3A_583, %get3A_584] {strides = array<i32>} : memref<2x8192xi32, #tpu.memory_space<vmem>>, vector<16xi32>,
      %mul3A_586 = arith.constant 8 : i32
      %mul3A_587 = vector.broadcast %mul3A_586 : i32 to vector<16xi32>
      %mul3A_588 = arith.muli %get3A_579, %mul3A_587 : vector<16xi32>
      %add3A_589 = arith.addi %mul3A_158, %mul3A_588 : vector<16xi32>
      %add3A_590 = arith.addi %add3A_589, %get3A_585 : vector<16xi32>
      tpu.vector_store_idx %arg6[%add3A_590], %broadcast_in_dim3A_160 {add = true} : memref<1024xf32, #tpu.memory_space<vmem>>[vector<16xi32>], vector<16xf32>,
      %add3A_591 = arith.constant 32 : i32
      %add3A_592 = arith.addi %mul3A_556, %add3A_591 : i32
      %get3A_593 = arith.constant 0 : i32
      %get3A_594 = arith.index_cast %get3A_593 : i32 to index
      %get3A_595 = arith.index_cast %add3A_592 : i32 to index
      %get3A_596 = tpu.vector_load %arg4[%get3A_594, %get3A_595] {strides = array<i32>} : memref<2x8192xi32, #tpu.memory_space<vmem>>, vector<16xi32>,
      %add3A_597 = arith.constant 32 : i32
      %add3A_598 = arith.addi %mul3A_556, %add3A_597 : i32
      %get3A_599 = arith.constant 0 : i32
      %get3A_600 = arith.index_cast %get3A_599 : i32 to index
      %get3A_601 = arith.index_cast %add3A_598 : i32 to index
      %get3A_602 = tpu.vector_load %arg5[%get3A_600, %get3A_601] {strides = array<i32>} : memref<2x8192xi32, #tpu.memory_space<vmem>>, vector<16xi32>,
      %mul3A_603 = arith.constant 8 : i32
      %mul3A_604 = vector.broadcast %mul3A_603 : i32 to vector<16xi32>
      %mul3A_605 = arith.muli %get3A_596, %mul3A_604 : vector<16xi32>
      %add3A_606 = arith.addi %mul3A_158, %mul3A_605 : vector<16xi32>
      %add3A_607 = arith.addi %add3A_606, %get3A_602 : vector<16xi32>
      tpu.vector_store_idx %arg6[%add3A_607], %broadcast_in_dim3A_160 {add = true} : memref<1024xf32, #tpu.memory_space<vmem>>[vector<16xi32>], vector<16xf32>,
      %add3A_608 = arith.constant 48 : i32
      %add3A_609 = arith.addi %mul3A_556, %add3A_608 : i32
      %get3A_610 = arith.constant 0 : i32
      %get3A_611 = arith.index_cast %get3A_610 : i32 to index
      %get3A_612 = arith.index_cast %add3A_609 : i32 to index
      %get3A_613 = tpu.vector_load %arg4[%get3A_611, %get3A_612] {strides = array<i32>} : memref<2x8192xi32, #tpu.memory_space<vmem>>, vector<16xi32>,
      %add3A_614 = arith.constant 48 : i32
      %add3A_615 = arith.addi %mul3A_556, %add3A_614 : i32
      %get3A_616 = arith.constant 0 : i32
      %get3A_617 = arith.index_cast %get3A_616 : i32 to index
      %get3A_618 = arith.index_cast %add3A_615 : i32 to index
      %get3A_619 = tpu.vector_load %arg5[%get3A_617, %get3A_618] {strides = array<i32>} : memref<2x8192xi32, #tpu.memory_space<vmem>>, vector<16xi32>,
      %mul3A_620 = arith.constant 8 : i32
      %mul3A_621 = vector.broadcast %mul3A_620 : i32 to vector<16xi32>
      %mul3A_622 = arith.muli %get3A_613, %mul3A_621 : vector<16xi32>
      %add3A_623 = arith.addi %mul3A_158, %mul3A_622 : vector<16xi32>
      %add3A_624 = arith.addi %add3A_623, %get3A_619 : vector<16xi32>
      tpu.vector_store_idx %arg6[%add3A_624], %broadcast_in_dim3A_160 {add = true} : memref<1024xf32, #tpu.memory_space<vmem>>[vector<16xi32>], vector<16xf32>,
      %add3A_625 = arith.constant 64 : i32
      %add3A_626 = arith.addi %mul3A_556, %add3A_625 : i32
      %get3A_627 = arith.constant 0 : i32
      %get3A_628 = arith.index_cast %get3A_627 : i32 to index
      %get3A_629 = arith.index_cast %add3A_626 : i32 to index
      %get3A_630 = tpu.vector_load %arg4[%get3A_628, %get3A_629] {strides = array<i32>} : memref<2x8192xi32, #tpu.memory_space<vmem>>, vector<16xi32>,
      %add3A_631 = arith.constant 64 : i32
      %add3A_632 = arith.addi %mul3A_556, %add3A_631 : i32
      %get3A_633 = arith.constant 0 : i32
      %get3A_634 = arith.index_cast %get3A_633 : i32 to index
      %get3A_635 = arith.index_cast %add3A_632 : i32 to index
      %get3A_636 = tpu.vector_load %arg5[%get3A_634, %get3A_635] {strides = array<i32>} : memref<2x8192xi32, #tpu.memory_space<vmem>>, vector<16xi32>,
      %mul3A_637 = arith.constant 8 : i32
      %mul3A_638 = vector.broadcast %mul3A_637 : i32 to vector<16xi32>
      %mul3A_639 = arith.muli %get3A_630, %mul3A_638 : vector<16xi32>
      %add3A_640 = arith.addi %mul3A_158, %mul3A_639 : vector<16xi32>
      %add3A_641 = arith.addi %add3A_640, %get3A_636 : vector<16xi32>
      tpu.vector_store_idx %arg6[%add3A_641], %broadcast_in_dim3A_160 {add = true} : memref<1024xf32, #tpu.memory_space<vmem>>[vector<16xi32>], vector<16xf32>,
      %add3A_642 = arith.constant 80 : i32
      %add3A_643 = arith.addi %mul3A_556, %add3A_642 : i32
      %get3A_644 = arith.constant 0 : i32
      %get3A_645 = arith.index_cast %get3A_644 : i32 to index
      %get3A_646 = arith.index_cast %add3A_643 : i32 to index
      %get3A_647 = tpu.vector_load %arg4[%get3A_645, %get3A_646] {strides = array<i32>} : memref<2x8192xi32, #tpu.memory_space<vmem>>, vector<16xi32>,
      %add3A_648 = arith.constant 80 : i32
      %add3A_649 = arith.addi %mul3A_556, %add3A_648 : i32
      %get3A_650 = arith.constant 0 : i32
      %get3A_651 = arith.index_cast %get3A_650 : i32 to index
      %get3A_652 = arith.index_cast %add3A_649 : i32 to index
      %get3A_653 = tpu.vector_load %arg5[%get3A_651, %get3A_652] {strides = array<i32>} : memref<2x8192xi32, #tpu.memory_space<vmem>>, vector<16xi32>,
      %mul3A_654 = arith.constant 8 : i32
      %mul3A_655 = vector.broadcast %mul3A_654 : i32 to vector<16xi32>
      %mul3A_656 = arith.muli %get3A_647, %mul3A_655 : vector<16xi32>
      %add3A_657 = arith.addi %mul3A_158, %mul3A_656 : vector<16xi32>
      %add3A_658 = arith.addi %add3A_657, %get3A_653 : vector<16xi32>
      tpu.vector_store_idx %arg6[%add3A_658], %broadcast_in_dim3A_160 {add = true} : memref<1024xf32, #tpu.memory_space<vmem>>[vector<16xi32>], vector<16xf32>,
      %add3A_659 = arith.constant 96 : i32
      %add3A_660 = arith.addi %mul3A_556, %add3A_659 : i32
      %get3A_661 = arith.constant 0 : i32
      %get3A_662 = arith.index_cast %get3A_661 : i32 to index
      %get3A_663 = arith.index_cast %add3A_660 : i32 to index
      %get3A_664 = tpu.vector_load %arg4[%get3A_662, %get3A_663] {strides = array<i32>} : memref<2x8192xi32, #tpu.memory_space<vmem>>, vector<16xi32>,
      %add3A_665 = arith.constant 96 : i32
      %add3A_666 = arith.addi %mul3A_556, %add3A_665 : i32
      %get3A_667 = arith.constant 0 : i32
      %get3A_668 = arith.index_cast %get3A_667 : i32 to index
      %get3A_669 = arith.index_cast %add3A_666 : i32 to index
      %get3A_670 = tpu.vector_load %arg5[%get3A_668, %get3A_669] {strides = array<i32>} : memref<2x8192xi32, #tpu.memory_space<vmem>>, vector<16xi32>,
      %mul3A_671 = arith.constant 8 : i32
      %mul3A_672 = vector.broadcast %mul3A_671 : i32 to vector<16xi32>
      %mul3A_673 = arith.muli %get3A_664, %mul3A_672 : vector<16xi32>
      %add3A_674 = arith.addi %mul3A_158, %mul3A_673 : vector<16xi32>
      %add3A_675 = arith.addi %add3A_674, %get3A_670 : vector<16xi32>
      tpu.vector_store_idx %arg6[%add3A_675], %broadcast_in_dim3A_160 {add = true} : memref<1024xf32, #tpu.memory_space<vmem>>[vector<16xi32>], vector<16xf32>,
      %add3A_676 = arith.constant 112 : i32
      %add3A_677 = arith.addi %mul3A_556, %add3A_676 : i32
      %get3A_678 = arith.constant 0 : i32
      %get3A_679 = arith.index_cast %get3A_678 : i32 to index
      %get3A_680 = arith.index_cast %add3A_677 : i32 to index
      %get3A_681 = tpu.vector_load %arg4[%get3A_679, %get3A_680] {strides = array<i32>} : memref<2x8192xi32, #tpu.memory_space<vmem>>, vector<16xi32>,
      %add3A_682 = arith.constant 112 : i32
      %add3A_683 = arith.addi %mul3A_556, %add3A_682 : i32
      %get3A_684 = arith.constant 0 : i32
      %get3A_685 = arith.index_cast %get3A_684 : i32 to index
      %get3A_686 = arith.index_cast %add3A_683 : i32 to index
      %get3A_687 = tpu.vector_load %arg5[%get3A_685, %get3A_686] {strides = array<i32>} : memref<2x8192xi32, #tpu.memory_space<vmem>>, vector<16xi32>,
      %mul3A_688 = arith.constant 8 : i32
      %mul3A_689 = vector.broadcast %mul3A_688 : i32 to vector<16xi32>
      %mul3A_690 = arith.muli %get3A_681, %mul3A_689 : vector<16xi32>
      %add3A_691 = arith.addi %mul3A_158, %mul3A_690 : vector<16xi32>
      %add3A_692 = arith.addi %add3A_691, %get3A_687 : vector<16xi32>
      tpu.vector_store_idx %arg6[%add3A_692], %broadcast_in_dim3A_160 {add = true} : memref<1024xf32, #tpu.memory_space<vmem>>[vector<16xi32>], vector<16xf32>,
    }
    %scan3A_326 = arith.constant 64 : i32
    %dma_wait3A_327 = arith.constant 0 : i32
    %dma_wait3A_328 = arith.constant 1 : i32
    %dma_wait3A_329 = arith.constant 0 : i32
    %dma_wait3A_330 = tpu.memref_slice %arg4[%dma_wait3A_328, %dma_wait3A_329] : memref<2x8192xi32, #tpu.memory_space<vmem>> -> memref<1x8192xi32, #tpu.memory_space<vmem>>
    %dma_wait3A_331 = tpu.memref_squeeze %dma_wait3A_330 : memref<1x8192xi32, #tpu.memory_space<vmem>> -> memref<8192xi32, #tpu.memory_space<vmem>>
    %dma_wait3A_332 = tpu.memref_slice %arg2[%dma_wait3A_327, %add3A_272] : memref<2x1048576xi32, #tpu.memory_space<hbm>> -> memref<1x8192xi32, #tpu.memory_space<hbm>>
    %dma_wait3A_333 = tpu.memref_squeeze %dma_wait3A_332 : memref<1x8192xi32, #tpu.memory_space<hbm>> -> memref<8192xi32, #tpu.memory_space<hbm>>
    %dma_wait3A_334 = arith.constant 0 : i32
    %dma_wait3A_335 = tpu.memref_slice %arg4[%dma_wait3A_328, %dma_wait3A_334] : memref<2x8192xi32, #tpu.memory_space<vmem>> -> memref<1x8192xi32, #tpu.memory_space<vmem>>
    %dma_wait3A_336 = tpu.memref_squeeze %dma_wait3A_335 : memref<1x8192xi32, #tpu.memory_space<vmem>> -> memref<8192xi32, #tpu.memory_space<vmem>>
    %dma_wait3A_337 = tpu.memref_slice %arg2[%dma_wait3A_327, %add3A_272] : memref<2x1048576xi32, #tpu.memory_space<hbm>> -> memref<1x8192xi32, #tpu.memory_space<hbm>>
    %dma_wait3A_338 = tpu.memref_squeeze %dma_wait3A_337 : memref<1x8192xi32, #tpu.memory_space<hbm>> -> memref<8192xi32, #tpu.memory_space<hbm>>
    tpu.wait_dma2 semaphore(%arg9 : memref<!tpu.dma_semaphore, #tpu.memory_space<semaphore_mem>>) src(%dma_wait3A_338 : memref<8192xi32, #tpu.memory_space<hbm>>) dst(%dma_wait3A_336 : memref<8192xi32, #tpu.memory_space<vmem>>)
    %dma_wait3A_339 = arith.constant 1 : i32
    %dma_wait3A_340 = arith.constant 1 : i32
    %dma_wait3A_341 = arith.constant 0 : i32
    %dma_wait3A_342 = tpu.memref_slice %arg5[%dma_wait3A_340, %dma_wait3A_341] : memref<2x8192xi32, #tpu.memory_space<vmem>> -> memref<1x8192xi32, #tpu.memory_space<vmem>>
    %dma_wait3A_343 = tpu.memref_squeeze %dma_wait3A_342 : memref<1x8192xi32, #tpu.memory_space<vmem>> -> memref<8192xi32, #tpu.memory_space<vmem>>
    %dma_wait3A_344 = tpu.memref_slice %arg2[%dma_wait3A_339, %add3A_272] : memref<2x1048576xi32, #tpu.memory_space<hbm>> -> memref<1x8192xi32, #tpu.memory_space<hbm>>
    %dma_wait3A_345 = tpu.memref_squeeze %dma_wait3A_344 : memref<1x8192xi32, #tpu.memory_space<hbm>> -> memref<8192xi32, #tpu.memory_space<hbm>>
    %dma_wait3A_346 = arith.constant 0 : i32
    %dma_wait3A_347 = tpu.memref_slice %arg5[%dma_wait3A_340, %dma_wait3A_346] : memref<2x8192xi32, #tpu.memory_space<vmem>> -> memref<1x8192xi32, #tpu.memory_space<vmem>>
    %dma_wait3A_348 = tpu.memref_squeeze %dma_wait3A_347 : memref<1x8192xi32, #tpu.memory_space<vmem>> -> memref<8192xi32, #tpu.memory_space<vmem>>
    %dma_wait3A_349 = tpu.memref_slice %arg2[%dma_wait3A_339, %add3A_272] : memref<2x1048576xi32, #tpu.memory_space<hbm>> -> memref<1x8192xi32, #tpu.memory_space<hbm>>
    %dma_wait3A_350 = tpu.memref_squeeze %dma_wait3A_349 : memref<1x8192xi32, #tpu.memory_space<hbm>> -> memref<8192xi32, #tpu.memory_space<hbm>>
    tpu.wait_dma2 semaphore(%arg11 : memref<!tpu.dma_semaphore, #tpu.memory_space<semaphore_mem>>) src(%dma_wait3A_350 : memref<8192xi32, #tpu.memory_space<hbm>>) dst(%dma_wait3A_348 : memref<8192xi32, #tpu.memory_space<vmem>>)
    %scan3A_351 = arith.constant 0 : i32
    %scan3A_352 = arith.constant 0 : i32
    %scan3A_353 = arith.constant 64 : i32
    %scan3A_354 = arith.addi %scan3A_352, %scan3A_353 : i32
    %scan3A_355 = arith.constant 1 : i32
    scf.for %scan3A_554 = %scan3A_352 to %scan3A_354 step %scan3A_355  : i32 {
      %mul3A_555 = arith.constant 128 : i32
      %mul3A_556 = arith.muli %scan3A_554, %mul3A_555 : i32
      %add3A_557 = arith.constant 0 : i32
      %add3A_558 = arith.addi %mul3A_556, %add3A_557 : i32
      %get3A_559 = arith.constant 1 : i32
      %get3A_560 = arith.index_cast %get3A_559 : i32 to index
      %get3A_561 = arith.index_cast %add3A_558 : i32 to index
      %get3A_562 = tpu.vector_load %arg4[%get3A_560, %get3A_561] {strides = array<i32>} : memref<2x8192xi32, #tpu.memory_space<vmem>>, vector<16xi32>,
      %add3A_563 = arith.constant 0 : i32
      %add3A_564 = arith.addi %mul3A_556, %add3A_563 : i32
      %get3A_565 = arith.constant 1 : i32
      %get3A_566 = arith.index_cast %get3A_565 : i32 to index
      %get3A_567 = arith.index_cast %add3A_564 : i32 to index
      %get3A_568 = tpu.vector_load %arg5[%get3A_566, %get3A_567] {strides = array<i32>} : memref<2x8192xi32, #tpu.memory_space<vmem>>, vector<16xi32>,
      %mul3A_569 = arith.constant 8 : i32
      %mul3A_570 = vector.broadcast %mul3A_569 : i32 to vector<16xi32>
      %mul3A_571 = arith.muli %get3A_562, %mul3A_570 : vector<16xi32>
      %add3A_572 = arith.addi %mul3A_158, %mul3A_571 : vector<16xi32>
      %add3A_573 = arith.addi %add3A_572, %get3A_568 : vector<16xi32>
      tpu.vector_store_idx %arg6[%add3A_573], %broadcast_in_dim3A_160 {add = true} : memref<1024xf32, #tpu.memory_space<vmem>>[vector<16xi32>], vector<16xf32>,
      %add3A_574 = arith.constant 16 : i32
      %add3A_575 = arith.addi %mul3A_556, %add3A_574 : i32
      %get3A_576 = arith.constant 1 : i32
      %get3A_577 = arith.index_cast %get3A_576 : i32 to index
      %get3A_578 = arith.index_cast %add3A_575 : i32 to index
      %get3A_579 = tpu.vector_load %arg4[%get3A_577, %get3A_578] {strides = array<i32>} : memref<2x8192xi32, #tpu.memory_space<vmem>>, vector<16xi32>,
      %add3A_580 = arith.constant 16 : i32
      %add3A_581 = arith.addi %mul3A_556, %add3A_580 : i32
      %get3A_582 = arith.constant 1 : i32
      %get3A_583 = arith.index_cast %get3A_582 : i32 to index
      %get3A_584 = arith.index_cast %add3A_581 : i32 to index
      %get3A_585 = tpu.vector_load %arg5[%get3A_583, %get3A_584] {strides = array<i32>} : memref<2x8192xi32, #tpu.memory_space<vmem>>, vector<16xi32>,
      %mul3A_586 = arith.constant 8 : i32
      %mul3A_587 = vector.broadcast %mul3A_586 : i32 to vector<16xi32>
      %mul3A_588 = arith.muli %get3A_579, %mul3A_587 : vector<16xi32>
      %add3A_589 = arith.addi %mul3A_158, %mul3A_588 : vector<16xi32>
      %add3A_590 = arith.addi %add3A_589, %get3A_585 : vector<16xi32>
      tpu.vector_store_idx %arg6[%add3A_590], %broadcast_in_dim3A_160 {add = true} : memref<1024xf32, #tpu.memory_space<vmem>>[vector<16xi32>], vector<16xf32>,
      %add3A_591 = arith.constant 32 : i32
      %add3A_592 = arith.addi %mul3A_556, %add3A_591 : i32
      %get3A_593 = arith.constant 1 : i32
      %get3A_594 = arith.index_cast %get3A_593 : i32 to index
      %get3A_595 = arith.index_cast %add3A_592 : i32 to index
      %get3A_596 = tpu.vector_load %arg4[%get3A_594, %get3A_595] {strides = array<i32>} : memref<2x8192xi32, #tpu.memory_space<vmem>>, vector<16xi32>,
      %add3A_597 = arith.constant 32 : i32
      %add3A_598 = arith.addi %mul3A_556, %add3A_597 : i32
      %get3A_599 = arith.constant 1 : i32
      %get3A_600 = arith.index_cast %get3A_599 : i32 to index
      %get3A_601 = arith.index_cast %add3A_598 : i32 to index
      %get3A_602 = tpu.vector_load %arg5[%get3A_600, %get3A_601] {strides = array<i32>} : memref<2x8192xi32, #tpu.memory_space<vmem>>, vector<16xi32>,
      %mul3A_603 = arith.constant 8 : i32
      %mul3A_604 = vector.broadcast %mul3A_603 : i32 to vector<16xi32>
      %mul3A_605 = arith.muli %get3A_596, %mul3A_604 : vector<16xi32>
      %add3A_606 = arith.addi %mul3A_158, %mul3A_605 : vector<16xi32>
      %add3A_607 = arith.addi %add3A_606, %get3A_602 : vector<16xi32>
      tpu.vector_store_idx %arg6[%add3A_607], %broadcast_in_dim3A_160 {add = true} : memref<1024xf32, #tpu.memory_space<vmem>>[vector<16xi32>], vector<16xf32>,
      %add3A_608 = arith.constant 48 : i32
      %add3A_609 = arith.addi %mul3A_556, %add3A_608 : i32
      %get3A_610 = arith.constant 1 : i32
      %get3A_611 = arith.index_cast %get3A_610 : i32 to index
      %get3A_612 = arith.index_cast %add3A_609 : i32 to index
      %get3A_613 = tpu.vector_load %arg4[%get3A_611, %get3A_612] {strides = array<i32>} : memref<2x8192xi32, #tpu.memory_space<vmem>>, vector<16xi32>,
      %add3A_614 = arith.constant 48 : i32
      %add3A_615 = arith.addi %mul3A_556, %add3A_614 : i32
      %get3A_616 = arith.constant 1 : i32
      %get3A_617 = arith.index_cast %get3A_616 : i32 to index
      %get3A_618 = arith.index_cast %add3A_615 : i32 to index
      %get3A_619 = tpu.vector_load %arg5[%get3A_617, %get3A_618] {strides = array<i32>} : memref<2x8192xi32, #tpu.memory_space<vmem>>, vector<16xi32>,
      %mul3A_620 = arith.constant 8 : i32
      %mul3A_621 = vector.broadcast %mul3A_620 : i32 to vector<16xi32>
      %mul3A_622 = arith.muli %get3A_613, %mul3A_621 : vector<16xi32>
      %add3A_623 = arith.addi %mul3A_158, %mul3A_622 : vector<16xi32>
      %add3A_624 = arith.addi %add3A_623, %get3A_619 : vector<16xi32>
      tpu.vector_store_idx %arg6[%add3A_624], %broadcast_in_dim3A_160 {add = true} : memref<1024xf32, #tpu.memory_space<vmem>>[vector<16xi32>], vector<16xf32>,
      %add3A_625 = arith.constant 64 : i32
      %add3A_626 = arith.addi %mul3A_556, %add3A_625 : i32
      %get3A_627 = arith.constant 1 : i32
      %get3A_628 = arith.index_cast %get3A_627 : i32 to index
      %get3A_629 = arith.index_cast %add3A_626 : i32 to index
      %get3A_630 = tpu.vector_load %arg4[%get3A_628, %get3A_629] {strides = array<i32>} : memref<2x8192xi32, #tpu.memory_space<vmem>>, vector<16xi32>,
      %add3A_631 = arith.constant 64 : i32
      %add3A_632 = arith.addi %mul3A_556, %add3A_631 : i32
      %get3A_633 = arith.constant 1 : i32
      %get3A_634 = arith.index_cast %get3A_633 : i32 to index
      %get3A_635 = arith.index_cast %add3A_632 : i32 to index
      %get3A_636 = tpu.vector_load %arg5[%get3A_634, %get3A_635] {strides = array<i32>} : memref<2x8192xi32, #tpu.memory_space<vmem>>, vector<16xi32>,
      %mul3A_637 = arith.constant 8 : i32
      %mul3A_638 = vector.broadcast %mul3A_637 : i32 to vector<16xi32>
      %mul3A_639 = arith.muli %get3A_630, %mul3A_638 : vector<16xi32>
      %add3A_640 = arith.addi %mul3A_158, %mul3A_639 : vector<16xi32>
      %add3A_641 = arith.addi %add3A_640, %get3A_636 : vector<16xi32>
      tpu.vector_store_idx %arg6[%add3A_641], %broadcast_in_dim3A_160 {add = true} : memref<1024xf32, #tpu.memory_space<vmem>>[vector<16xi32>], vector<16xf32>,
      %add3A_642 = arith.constant 80 : i32
      %add3A_643 = arith.addi %mul3A_556, %add3A_642 : i32
      %get3A_644 = arith.constant 1 : i32
      %get3A_645 = arith.index_cast %get3A_644 : i32 to index
      %get3A_646 = arith.index_cast %add3A_643 : i32 to index
      %get3A_647 = tpu.vector_load %arg4[%get3A_645, %get3A_646] {strides = array<i32>} : memref<2x8192xi32, #tpu.memory_space<vmem>>, vector<16xi32>,
      %add3A_648 = arith.constant 80 : i32
      %add3A_649 = arith.addi %mul3A_556, %add3A_648 : i32
      %get3A_650 = arith.constant 1 : i32
      %get3A_651 = arith.index_cast %get3A_650 : i32 to index
      %get3A_652 = arith.index_cast %add3A_649 : i32 to index
      %get3A_653 = tpu.vector_load %arg5[%get3A_651, %get3A_652] {strides = array<i32>} : memref<2x8192xi32, #tpu.memory_space<vmem>>, vector<16xi32>,
      %mul3A_654 = arith.constant 8 : i32
      %mul3A_655 = vector.broadcast %mul3A_654 : i32 to vector<16xi32>
      %mul3A_656 = arith.muli %get3A_647, %mul3A_655 : vector<16xi32>
      %add3A_657 = arith.addi %mul3A_158, %mul3A_656 : vector<16xi32>
      %add3A_658 = arith.addi %add3A_657, %get3A_653 : vector<16xi32>
      tpu.vector_store_idx %arg6[%add3A_658], %broadcast_in_dim3A_160 {add = true} : memref<1024xf32, #tpu.memory_space<vmem>>[vector<16xi32>], vector<16xf32>,
      %add3A_659 = arith.constant 96 : i32
      %add3A_660 = arith.addi %mul3A_556, %add3A_659 : i32
      %get3A_661 = arith.constant 1 : i32
      %get3A_662 = arith.index_cast %get3A_661 : i32 to index
      %get3A_663 = arith.index_cast %add3A_660 : i32 to index
      %get3A_664 = tpu.vector_load %arg4[%get3A_662, %get3A_663] {strides = array<i32>} : memref<2x8192xi32, #tpu.memory_space<vmem>>, vector<16xi32>,
      %add3A_665 = arith.constant 96 : i32
      %add3A_666 = arith.addi %mul3A_556, %add3A_665 : i32
      %get3A_667 = arith.constant 1 : i32
      %get3A_668 = arith.index_cast %get3A_667 : i32 to index
      %get3A_669 = arith.index_cast %add3A_666 : i32 to index
      %get3A_670 = tpu.vector_load %arg5[%get3A_668, %get3A_669] {strides = array<i32>} : memref<2x8192xi32, #tpu.memory_space<vmem>>, vector<16xi32>,
      %mul3A_671 = arith.constant 8 : i32
      %mul3A_672 = vector.broadcast %mul3A_671 : i32 to vector<16xi32>
      %mul3A_673 = arith.muli %get3A_664, %mul3A_672 : vector<16xi32>
      %add3A_674 = arith.addi %mul3A_158, %mul3A_673 : vector<16xi32>
      %add3A_675 = arith.addi %add3A_674, %get3A_670 : vector<16xi32>
      tpu.vector_store_idx %arg6[%add3A_675], %broadcast_in_dim3A_160 {add = true} : memref<1024xf32, #tpu.memory_space<vmem>>[vector<16xi32>], vector<16xf32>,
      %add3A_676 = arith.constant 112 : i32
      %add3A_677 = arith.addi %mul3A_556, %add3A_676 : i32
      %get3A_678 = arith.constant 1 : i32
      %get3A_679 = arith.index_cast %get3A_678 : i32 to index
      %get3A_680 = arith.index_cast %add3A_677 : i32 to index
      %get3A_681 = tpu.vector_load %arg4[%get3A_679, %get3A_680] {strides = array<i32>} : memref<2x8192xi32, #tpu.memory_space<vmem>>, vector<16xi32>,
      %add3A_682 = arith.constant 112 : i32
      %add3A_683 = arith.addi %mul3A_556, %add3A_682 : i32
      %get3A_684 = arith.constant 1 : i32
      %get3A_685 = arith.index_cast %get3A_684 : i32 to index
      %get3A_686 = arith.index_cast %add3A_683 : i32 to index
      %get3A_687 = tpu.vector_load %arg5[%get3A_685, %get3A_686] {strides = array<i32>} : memref<2x8192xi32, #tpu.memory_space<vmem>>, vector<16xi32>,
      %mul3A_688 = arith.constant 8 : i32
      %mul3A_689 = vector.broadcast %mul3A_688 : i32 to vector<16xi32>
      %mul3A_690 = arith.muli %get3A_681, %mul3A_689 : vector<16xi32>
      %add3A_691 = arith.addi %mul3A_158, %mul3A_690 : vector<16xi32>
      %add3A_692 = arith.addi %add3A_691, %get3A_687 : vector<16xi32>
      tpu.vector_store_idx %arg6[%add3A_692], %broadcast_in_dim3A_160 {add = true} : memref<1024xf32, #tpu.memory_space<vmem>>[vector<16xi32>], vector<16xf32>,
    }
    %scan3A_356 = arith.constant 64 : i32
    %get3A = arith.constant 0 : index
    %get3A_357 = tpu.vector_load %arg6[%get3A] {strides = array<i32>} : memref<1024xf32, #tpu.memory_space<vmem>>, vector<16xf32>,
    %get3A_358 = arith.constant 64 : index
    %get3A_359 = tpu.vector_load %arg6[%get3A_358] {strides = array<i32>} : memref<1024xf32, #tpu.memory_space<vmem>>, vector<16xf32>,
    %add3A_360 = arith.addf %get3A_357, %get3A_359 : vector<16xf32>
    %get3A_361 = arith.constant 128 : index
    %get3A_362 = tpu.vector_load %arg6[%get3A_361] {strides = array<i32>} : memref<1024xf32, #tpu.memory_space<vmem>>, vector<16xf32>,
    %add3A_363 = arith.addf %add3A_360, %get3A_362 : vector<16xf32>
    %get3A_364 = arith.constant 192 : index
    %get3A_365 = tpu.vector_load %arg6[%get3A_364] {strides = array<i32>} : memref<1024xf32, #tpu.memory_space<vmem>>, vector<16xf32>,
    %add3A_366 = arith.addf %add3A_363, %get3A_365 : vector<16xf32>
    %get3A_367 = arith.constant 256 : index
    %get3A_368 = tpu.vector_load %arg6[%get3A_367] {strides = array<i32>} : memref<1024xf32, #tpu.memory_space<vmem>>, vector<16xf32>,
    %add3A_369 = arith.addf %add3A_366, %get3A_368 : vector<16xf32>
    %get3A_370 = arith.constant 320 : index
    %get3A_371 = tpu.vector_load %arg6[%get3A_370] {strides = array<i32>} : memref<1024xf32, #tpu.memory_space<vmem>>, vector<16xf32>,
    %add3A_372 = arith.addf %add3A_369, %get3A_371 : vector<16xf32>
    %get3A_373 = arith.constant 384 : index
    %get3A_374 = tpu.vector_load %arg6[%get3A_373] {strides = array<i32>} : memref<1024xf32, #tpu.memory_space<vmem>>, vector<16xf32>,
    %add3A_375 = arith.addf %add3A_372, %get3A_374 : vector<16xf32>
    %get3A_376 = arith.constant 448 : index
    %get3A_377 = tpu.vector_load %arg6[%get3A_376] {strides = array<i32>} : memref<1024xf32, #tpu.memory_space<vmem>>, vector<16xf32>,
    %add3A_378 = arith.addf %add3A_375, %get3A_377 : vector<16xf32>
    %get3A_379 = arith.constant 512 : index
    %get3A_380 = tpu.vector_load %arg6[%get3A_379] {strides = array<i32>} : memref<1024xf32, #tpu.memory_space<vmem>>, vector<16xf32>,
    %add3A_381 = arith.addf %add3A_378, %get3A_380 : vector<16xf32>
    %get3A_382 = arith.constant 576 : index
    %get3A_383 = tpu.vector_load %arg6[%get3A_382] {strides = array<i32>} : memref<1024xf32, #tpu.memory_space<vmem>>, vector<16xf32>,
    %add3A_384 = arith.addf %add3A_381, %get3A_383 : vector<16xf32>
    %get3A_385 = arith.constant 640 : index
    %get3A_386 = tpu.vector_load %arg6[%get3A_385] {strides = array<i32>} : memref<1024xf32, #tpu.memory_space<vmem>>, vector<16xf32>,
    %add3A_387 = arith.addf %add3A_384, %get3A_386 : vector<16xf32>
    %get3A_388 = arith.constant 704 : index
    %get3A_389 = tpu.vector_load %arg6[%get3A_388] {strides = array<i32>} : memref<1024xf32, #tpu.memory_space<vmem>>, vector<16xf32>,
    %add3A_390 = arith.addf %add3A_387, %get3A_389 : vector<16xf32>
    %get3A_391 = arith.constant 768 : index
    %get3A_392 = tpu.vector_load %arg6[%get3A_391] {strides = array<i32>} : memref<1024xf32, #tpu.memory_space<vmem>>, vector<16xf32>,
    %add3A_393 = arith.addf %add3A_390, %get3A_392 : vector<16xf32>
    %get3A_394 = arith.constant 832 : index
    %get3A_395 = tpu.vector_load %arg6[%get3A_394] {strides = array<i32>} : memref<1024xf32, #tpu.memory_space<vmem>>, vector<16xf32>,
    %add3A_396 = arith.addf %add3A_393, %get3A_395 : vector<16xf32>
    %get3A_397 = arith.constant 896 : index
    %get3A_398 = tpu.vector_load %arg6[%get3A_397] {strides = array<i32>} : memref<1024xf32, #tpu.memory_space<vmem>>, vector<16xf32>,
    %add3A_399 = arith.addf %add3A_396, %get3A_398 : vector<16xf32>
    %get3A_400 = arith.constant 960 : index
    %get3A_401 = tpu.vector_load %arg6[%get3A_400] {strides = array<i32>} : memref<1024xf32, #tpu.memory_space<vmem>>, vector<16xf32>,
    %add3A_402 = arith.addf %add3A_399, %get3A_401 : vector<16xf32>
    %swap3A_403 = arith.constant 0 : index
    %swap3A_404 = tpu.vector_load %arg7[%swap3A_403] {strides = array<i32>} : memref<64xf32, #tpu.memory_space<vmem>>, vector<16xf32>,
    tpu.vector_store %arg7[%swap3A_403], %add3A_402 {strides = array<i32>} : memref<64xf32, #tpu.memory_space<vmem>>, vector<16xf32>,
    %get3A_405 = arith.constant 16 : index
    %get3A_406 = tpu.vector_load %arg6[%get3A_405] {strides = array<i32>} : memref<1024xf32, #tpu.memory_space<vmem>>, vector<16xf32>,
    %get3A_407 = arith.constant 80 : index
    %get3A_408 = tpu.vector_load %arg6[%get3A_407] {strides = array<i32>} : memref<1024xf32, #tpu.memory_space<vmem>>, vector<16xf32>,
    %add3A_409 = arith.addf %get3A_406, %get3A_408 : vector<16xf32>
    %get3A_410 = arith.constant 144 : index
    %get3A_411 = tpu.vector_load %arg6[%get3A_410] {strides = array<i32>} : memref<1024xf32, #tpu.memory_space<vmem>>, vector<16xf32>,
    %add3A_412 = arith.addf %add3A_409, %get3A_411 : vector<16xf32>
    %get3A_413 = arith.constant 208 : index
    %get3A_414 = tpu.vector_load %arg6[%get3A_413] {strides = array<i32>} : memref<1024xf32, #tpu.memory_space<vmem>>, vector<16xf32>,
    %add3A_415 = arith.addf %add3A_412, %get3A_414 : vector<16xf32>
    %get3A_416 = arith.constant 272 : index
    %get3A_417 = tpu.vector_load %arg6[%get3A_416] {strides = array<i32>} : memref<1024xf32, #tpu.memory_space<vmem>>, vector<16xf32>,
    %add3A_418 = arith.addf %add3A_415, %get3A_417 : vector<16xf32>
    %get3A_419 = arith.constant 336 : index
    %get3A_420 = tpu.vector_load %arg6[%get3A_419] {strides = array<i32>} : memref<1024xf32, #tpu.memory_space<vmem>>, vector<16xf32>,
    %add3A_421 = arith.addf %add3A_418, %get3A_420 : vector<16xf32>
    %get3A_422 = arith.constant 400 : index
    %get3A_423 = tpu.vector_load %arg6[%get3A_422] {strides = array<i32>} : memref<1024xf32, #tpu.memory_space<vmem>>, vector<16xf32>,
    %add3A_424 = arith.addf %add3A_421, %get3A_423 : vector<16xf32>
    %get3A_425 = arith.constant 464 : index
    %get3A_426 = tpu.vector_load %arg6[%get3A_425] {strides = array<i32>} : memref<1024xf32, #tpu.memory_space<vmem>>, vector<16xf32>,
    %add3A_427 = arith.addf %add3A_424, %get3A_426 : vector<16xf32>
    %get3A_428 = arith.constant 528 : index
    %get3A_429 = tpu.vector_load %arg6[%get3A_428] {strides = array<i32>} : memref<1024xf32, #tpu.memory_space<vmem>>, vector<16xf32>,
    %add3A_430 = arith.addf %add3A_427, %get3A_429 : vector<16xf32>
    %get3A_431 = arith.constant 592 : index
    %get3A_432 = tpu.vector_load %arg6[%get3A_431] {strides = array<i32>} : memref<1024xf32, #tpu.memory_space<vmem>>, vector<16xf32>,
    %add3A_433 = arith.addf %add3A_430, %get3A_432 : vector<16xf32>
    %get3A_434 = arith.constant 656 : index
    %get3A_435 = tpu.vector_load %arg6[%get3A_434] {strides = array<i32>} : memref<1024xf32, #tpu.memory_space<vmem>>, vector<16xf32>,
    %add3A_436 = arith.addf %add3A_433, %get3A_435 : vector<16xf32>
    %get3A_437 = arith.constant 720 : index
    %get3A_438 = tpu.vector_load %arg6[%get3A_437] {strides = array<i32>} : memref<1024xf32, #tpu.memory_space<vmem>>, vector<16xf32>,
    %add3A_439 = arith.addf %add3A_436, %get3A_438 : vector<16xf32>
    %get3A_440 = arith.constant 784 : index
    %get3A_441 = tpu.vector_load %arg6[%get3A_440] {strides = array<i32>} : memref<1024xf32, #tpu.memory_space<vmem>>, vector<16xf32>,
    %add3A_442 = arith.addf %add3A_439, %get3A_441 : vector<16xf32>
    %get3A_443 = arith.constant 848 : index
    %get3A_444 = tpu.vector_load %arg6[%get3A_443] {strides = array<i32>} : memref<1024xf32, #tpu.memory_space<vmem>>, vector<16xf32>,
    %add3A_445 = arith.addf %add3A_442, %get3A_444 : vector<16xf32>
    %get3A_446 = arith.constant 912 : index
    %get3A_447 = tpu.vector_load %arg6[%get3A_446] {strides = array<i32>} : memref<1024xf32, #tpu.memory_space<vmem>>, vector<16xf32>,
    %add3A_448 = arith.addf %add3A_445, %get3A_447 : vector<16xf32>
    %get3A_449 = arith.constant 976 : index
    %get3A_450 = tpu.vector_load %arg6[%get3A_449] {strides = array<i32>} : memref<1024xf32, #tpu.memory_space<vmem>>, vector<16xf32>,
    %add3A_451 = arith.addf %add3A_448, %get3A_450 : vector<16xf32>
    %swap3A_452 = arith.constant 16 : index
    %swap3A_453 = tpu.vector_load %arg7[%swap3A_452] {strides = array<i32>} : memref<64xf32, #tpu.memory_space<vmem>>, vector<16xf32>,
    tpu.vector_store %arg7[%swap3A_452], %add3A_451 {strides = array<i32>} : memref<64xf32, #tpu.memory_space<vmem>>, vector<16xf32>,
    %get3A_454 = arith.constant 32 : index
    %get3A_455 = tpu.vector_load %arg6[%get3A_454] {strides = array<i32>} : memref<1024xf32, #tpu.memory_space<vmem>>, vector<16xf32>,
    %get3A_456 = arith.constant 96 : index
    %get3A_457 = tpu.vector_load %arg6[%get3A_456] {strides = array<i32>} : memref<1024xf32, #tpu.memory_space<vmem>>, vector<16xf32>,
    %add3A_458 = arith.addf %get3A_455, %get3A_457 : vector<16xf32>
    %get3A_459 = arith.constant 160 : index
    %get3A_460 = tpu.vector_load %arg6[%get3A_459] {strides = array<i32>} : memref<1024xf32, #tpu.memory_space<vmem>>, vector<16xf32>,
    %add3A_461 = arith.addf %add3A_458, %get3A_460 : vector<16xf32>
    %get3A_462 = arith.constant 224 : index
    %get3A_463 = tpu.vector_load %arg6[%get3A_462] {strides = array<i32>} : memref<1024xf32, #tpu.memory_space<vmem>>, vector<16xf32>,
    %add3A_464 = arith.addf %add3A_461, %get3A_463 : vector<16xf32>
    %get3A_465 = arith.constant 288 : index
    %get3A_466 = tpu.vector_load %arg6[%get3A_465] {strides = array<i32>} : memref<1024xf32, #tpu.memory_space<vmem>>, vector<16xf32>,
    %add3A_467 = arith.addf %add3A_464, %get3A_466 : vector<16xf32>
    %get3A_468 = arith.constant 352 : index
    %get3A_469 = tpu.vector_load %arg6[%get3A_468] {strides = array<i32>} : memref<1024xf32, #tpu.memory_space<vmem>>, vector<16xf32>,
    %add3A_470 = arith.addf %add3A_467, %get3A_469 : vector<16xf32>
    %get3A_471 = arith.constant 416 : index
    %get3A_472 = tpu.vector_load %arg6[%get3A_471] {strides = array<i32>} : memref<1024xf32, #tpu.memory_space<vmem>>, vector<16xf32>,
    %add3A_473 = arith.addf %add3A_470, %get3A_472 : vector<16xf32>
    %get3A_474 = arith.constant 480 : index
    %get3A_475 = tpu.vector_load %arg6[%get3A_474] {strides = array<i32>} : memref<1024xf32, #tpu.memory_space<vmem>>, vector<16xf32>,
    %add3A_476 = arith.addf %add3A_473, %get3A_475 : vector<16xf32>
    %get3A_477 = arith.constant 544 : index
    %get3A_478 = tpu.vector_load %arg6[%get3A_477] {strides = array<i32>} : memref<1024xf32, #tpu.memory_space<vmem>>, vector<16xf32>,
    %add3A_479 = arith.addf %add3A_476, %get3A_478 : vector<16xf32>
    %get3A_480 = arith.constant 608 : index
    %get3A_481 = tpu.vector_load %arg6[%get3A_480] {strides = array<i32>} : memref<1024xf32, #tpu.memory_space<vmem>>, vector<16xf32>,
    %add3A_482 = arith.addf %add3A_479, %get3A_481 : vector<16xf32>
    %get3A_483 = arith.constant 672 : index
    %get3A_484 = tpu.vector_load %arg6[%get3A_483] {strides = array<i32>} : memref<1024xf32, #tpu.memory_space<vmem>>, vector<16xf32>,
    %add3A_485 = arith.addf %add3A_482, %get3A_484 : vector<16xf32>
    %get3A_486 = arith.constant 736 : index
    %get3A_487 = tpu.vector_load %arg6[%get3A_486] {strides = array<i32>} : memref<1024xf32, #tpu.memory_space<vmem>>, vector<16xf32>,
    %add3A_488 = arith.addf %add3A_485, %get3A_487 : vector<16xf32>
    %get3A_489 = arith.constant 800 : index
    %get3A_490 = tpu.vector_load %arg6[%get3A_489] {strides = array<i32>} : memref<1024xf32, #tpu.memory_space<vmem>>, vector<16xf32>,
    %add3A_491 = arith.addf %add3A_488, %get3A_490 : vector<16xf32>
    %get3A_492 = arith.constant 864 : index
    %get3A_493 = tpu.vector_load %arg6[%get3A_492] {strides = array<i32>} : memref<1024xf32, #tpu.memory_space<vmem>>, vector<16xf32>,
    %add3A_494 = arith.addf %add3A_491, %get3A_493 : vector<16xf32>
    %get3A_495 = arith.constant 928 : index
    %get3A_496 = tpu.vector_load %arg6[%get3A_495] {strides = array<i32>} : memref<1024xf32, #tpu.memory_space<vmem>>, vector<16xf32>,
    %add3A_497 = arith.addf %add3A_494, %get3A_496 : vector<16xf32>
    %get3A_498 = arith.constant 992 : index
    %get3A_499 = tpu.vector_load %arg6[%get3A_498] {strides = array<i32>} : memref<1024xf32, #tpu.memory_space<vmem>>, vector<16xf32>,
    %add3A_500 = arith.addf %add3A_497, %get3A_499 : vector<16xf32>
    %swap3A_501 = arith.constant 32 : index
    %swap3A_502 = tpu.vector_load %arg7[%swap3A_501] {strides = array<i32>} : memref<64xf32, #tpu.memory_space<vmem>>, vector<16xf32>,
    tpu.vector_store %arg7[%swap3A_501], %add3A_500 {strides = array<i32>} : memref<64xf32, #tpu.memory_space<vmem>>, vector<16xf32>,
    %get3A_503 = arith.constant 48 : index
    %get3A_504 = tpu.vector_load %arg6[%get3A_503] {strides = array<i32>} : memref<1024xf32, #tpu.memory_space<vmem>>, vector<16xf32>,
    %get3A_505 = arith.constant 112 : index
    %get3A_506 = tpu.vector_load %arg6[%get3A_505] {strides = array<i32>} : memref<1024xf32, #tpu.memory_space<vmem>>, vector<16xf32>,
    %add3A_507 = arith.addf %get3A_504, %get3A_506 : vector<16xf32>
    %get3A_508 = arith.constant 176 : index
    %get3A_509 = tpu.vector_load %arg6[%get3A_508] {strides = array<i32>} : memref<1024xf32, #tpu.memory_space<vmem>>, vector<16xf32>,
    %add3A_510 = arith.addf %add3A_507, %get3A_509 : vector<16xf32>
    %get3A_511 = arith.constant 240 : index
    %get3A_512 = tpu.vector_load %arg6[%get3A_511] {strides = array<i32>} : memref<1024xf32, #tpu.memory_space<vmem>>, vector<16xf32>,
    %add3A_513 = arith.addf %add3A_510, %get3A_512 : vector<16xf32>
    %get3A_514 = arith.constant 304 : index
    %get3A_515 = tpu.vector_load %arg6[%get3A_514] {strides = array<i32>} : memref<1024xf32, #tpu.memory_space<vmem>>, vector<16xf32>,
    %add3A_516 = arith.addf %add3A_513, %get3A_515 : vector<16xf32>
    %get3A_517 = arith.constant 368 : index
    %get3A_518 = tpu.vector_load %arg6[%get3A_517] {strides = array<i32>} : memref<1024xf32, #tpu.memory_space<vmem>>, vector<16xf32>,
    %add3A_519 = arith.addf %add3A_516, %get3A_518 : vector<16xf32>
    %get3A_520 = arith.constant 432 : index
    %get3A_521 = tpu.vector_load %arg6[%get3A_520] {strides = array<i32>} : memref<1024xf32, #tpu.memory_space<vmem>>, vector<16xf32>,
    %add3A_522 = arith.addf %add3A_519, %get3A_521 : vector<16xf32>
    %get3A_523 = arith.constant 496 : index
    %get3A_524 = tpu.vector_load %arg6[%get3A_523] {strides = array<i32>} : memref<1024xf32, #tpu.memory_space<vmem>>, vector<16xf32>,
    %add3A_525 = arith.addf %add3A_522, %get3A_524 : vector<16xf32>
    %get3A_526 = arith.constant 560 : index
    %get3A_527 = tpu.vector_load %arg6[%get3A_526] {strides = array<i32>} : memref<1024xf32, #tpu.memory_space<vmem>>, vector<16xf32>,
    %add3A_528 = arith.addf %add3A_525, %get3A_527 : vector<16xf32>
    %get3A_529 = arith.constant 624 : index
    %get3A_530 = tpu.vector_load %arg6[%get3A_529] {strides = array<i32>} : memref<1024xf32, #tpu.memory_space<vmem>>, vector<16xf32>,
    %add3A_531 = arith.addf %add3A_528, %get3A_530 : vector<16xf32>
    %get3A_532 = arith.constant 688 : index
    %get3A_533 = tpu.vector_load %arg6[%get3A_532] {strides = array<i32>} : memref<1024xf32, #tpu.memory_space<vmem>>, vector<16xf32>,
    %add3A_534 = arith.addf %add3A_531, %get3A_533 : vector<16xf32>
    %get3A_535 = arith.constant 752 : index
    %get3A_536 = tpu.vector_load %arg6[%get3A_535] {strides = array<i32>} : memref<1024xf32, #tpu.memory_space<vmem>>, vector<16xf32>,
    %add3A_537 = arith.addf %add3A_534, %get3A_536 : vector<16xf32>
    %get3A_538 = arith.constant 816 : index
    %get3A_539 = tpu.vector_load %arg6[%get3A_538] {strides = array<i32>} : memref<1024xf32, #tpu.memory_space<vmem>>, vector<16xf32>,
    %add3A_540 = arith.addf %add3A_537, %get3A_539 : vector<16xf32>
    %get3A_541 = arith.constant 880 : index
    %get3A_542 = tpu.vector_load %arg6[%get3A_541] {strides = array<i32>} : memref<1024xf32, #tpu.memory_space<vmem>>, vector<16xf32>,
    %add3A_543 = arith.addf %add3A_540, %get3A_542 : vector<16xf32>
    %get3A_544 = arith.constant 944 : index
    %get3A_545 = tpu.vector_load %arg6[%get3A_544] {strides = array<i32>} : memref<1024xf32, #tpu.memory_space<vmem>>, vector<16xf32>,
    %add3A_546 = arith.addf %add3A_543, %get3A_545 : vector<16xf32>
    %get3A_547 = arith.constant 1008 : index
    %get3A_548 = tpu.vector_load %arg6[%get3A_547] {strides = array<i32>} : memref<1024xf32, #tpu.memory_space<vmem>>, vector<16xf32>,
    %add3A_549 = arith.addf %add3A_546, %get3A_548 : vector<16xf32>
    %swap3A_550 = arith.constant 48 : index
    %swap3A_551 = tpu.vector_load %arg7[%swap3A_550] {strides = array<i32>} : memref<64xf32, #tpu.memory_space<vmem>>, vector<16xf32>,
    tpu.vector_store %arg7[%swap3A_550], %add3A_549 {strides = array<i32>} : memref<64xf32, #tpu.memory_space<vmem>>, vector<16xf32>,
    %mul3A_552 = arith.constant 64 : i32
    %mul3A_553 = arith.muli %add3A, %mul3A_552 : i32
    "tpu.region"() ({
      %run_scoped3A = tpu.sem_alloc : memref<!tpu.dma_semaphore, #tpu.memory_space<semaphore_mem>>
      %dma_start3A_554 = tpu.memref_slice %arg3[%mul3A_553] : memref<2048xf32, #tpu.memory_space<hbm>> -> memref<64xf32, #tpu.memory_space<hbm>>
      %dma_start3A_555 = tpu.memref_slice %arg3[%mul3A_553] : memref<2048xf32, #tpu.memory_space<hbm>> -> memref<64xf32, #tpu.memory_space<hbm>>
      tpu.enqueue_dma source(%arg7 : memref<64xf32, #tpu.memory_space<vmem>>) target(%dma_start3A_555 : memref<64xf32, #tpu.memory_space<hbm>>) target_semaphore(%run_scoped3A : memref<!tpu.dma_semaphore, #tpu.memory_space<semaphore_mem>>)
      %dma_wait3A_556 = tpu.memref_slice %arg3[%mul3A_553] : memref<2048xf32, #tpu.memory_space<hbm>> -> memref<64xf32, #tpu.memory_space<hbm>>
      %dma_wait3A_557 = tpu.memref_slice %arg3[%mul3A_553] : memref<2048xf32, #tpu.memory_space<hbm>> -> memref<64xf32, #tpu.memory_space<hbm>>
      tpu.wait_dma2 semaphore(%run_scoped3A : memref<!tpu.dma_semaphore, #tpu.memory_space<semaphore_mem>>) src(%arg7 : memref<64xf32, #tpu.memory_space<vmem>>) dst(%dma_wait3A_557 : memref<64xf32, #tpu.memory_space<hbm>>)
      tpu.yield
    }) : () -> ()
    return
  }
}

module attributes {stable_mosaic.version = 14 : i64} {
  func.func @body(%arg0: memref<32x8x8xf32, #tpu.memory_space<vmem>>, %arg1: memref<8x512xf32, #tpu.memory_space<vmem>>, %arg2: memref<4x512xf32, #tpu.memory_space<vmem>>, %arg3: memref<1x4xf32, #tpu.memory_space<vmem>>, %arg4: memref<8x4xf32, #tpu.memory_space<vmem>>, %arg5: memref<1x8xf32, #tpu.memory_space<vmem>>, %arg6: memref<16x8xf32, #tpu.memory_space<vmem>>, %arg7: memref<1x16xf32, #tpu.memory_space<vmem>>, %arg8: memref<128x64xf32, #tpu.memory_space<vmem>>, %arg9: memref<1x64xf32, #tpu.memory_space<vmem>>, %arg10: memref<16x64xf32, #tpu.memory_space<vmem>>, %arg11: memref<1x16xf32, #tpu.memory_space<vmem>>, %arg12: memref<1x16xf32, #tpu.memory_space<vmem>>) attributes {dimension_semantics = [], scalar_prefetch = 0 : i64, scratch_operands = 0 : i64, tpu.core_type = #tpu.core_type<tc>} {
    %get3A = arith.constant 0 : index
    %get3A_0 = arith.constant 0 : index
    %get3A_1 = arith.constant 0 : index
    %get3A_2 = vector.load %arg0[%get3A, %get3A_0, %get3A_1] : memref<32x8x8xf32, #tpu.memory_space<vmem>>, vector<32x8x8xf32>
    %reduce_sum3A = arith.constant dense<0.000000e+00> : vector<8x8xf32>
    %reduce_sum3A_3 = vector.multi_reduction <add>, %get3A_2, %reduce_sum3A [0] : vector<32x8x8xf32> to vector<8x8xf32>
    %iota3A = tpu.iota {dimensions = array<i32: 0>} : vector<8x8xi32>
    %iota3A_4 = tpu.iota {dimensions = array<i32: 1>} : vector<8x8xi32>
    %eq3A = arith.cmpi eq, %iota3A, %iota3A_4 : vector<8x8xi32>
    %convert_element_type3A = arith.extui %eq3A : vector<8x8xi1> to vector<8x8xi32>
    %convert_element_type3A_5 = arith.sitofp %convert_element_type3A : vector<8x8xi32> to vector<8x8xf32>
    %add3A = arith.addf %reduce_sum3A_3, %convert_element_type3A_5 : vector<8x8xf32>
    %reduce_sum3A_6 = arith.constant dense<0.000000e+00> : vector<8xf32>
    %reduce_sum3A_7 = vector.multi_reduction <add>, %add3A, %reduce_sum3A_6 [0] : vector<8x8xf32> to vector<8xf32>
    %broadcast_in_dim3A = vector.shape_cast %reduce_sum3A_7 : vector<8xf32> to vector<1x8xf32>
    %rsqrt3A = math.rsqrt %broadcast_in_dim3A : vector<1x8xf32>
    %eq3A_8 = arith.cmpi eq, %iota3A, %iota3A_4 : vector<8x8xi32>
    %convert_element_type3A_9 = arith.extui %eq3A_8 : vector<8x8xi1> to vector<8x8xi32>
    %convert_element_type3A_10 = arith.sitofp %convert_element_type3A_9 : vector<8x8xi32> to vector<8x8xf32>
    %mul3A = vector.broadcast %rsqrt3A : vector<1x8xf32> to vector<8x8xf32>
    %mul3A_11 = arith.mulf %convert_element_type3A_10, %mul3A : vector<8x8xf32>
    %dot_general3A = arith.constant dense<0.000000e+00> : vector<8x8xf32>
    %dot_general3A_12 = tpu.matmul %add3A, %mul3A_11, %dot_general3A {dimension_numbers = #tpu.dot_dimension_numbers<[0], [0], [1], [1], [0, 1, 1, 1], [], []>, transpose_lhs_hint = false} : vector<8x8xf32>, vector<8x8xf32>, vector<8x8xf32> -> vector<8x8xf32>
    %dot_general3A_13 = arith.constant dense<0.000000e+00> : vector<8x8xf32>
    %dot_general3A_14 = tpu.matmul %mul3A_11, %dot_general3A_12, %dot_general3A_13 {dimension_numbers = #tpu.dot_dimension_numbers<[1], [0], [0], [1], [0, 0, 1, 1], [], []>, transpose_lhs_hint = false} : vector<8x8xf32>, vector<8x8xf32>, vector<8x8xf32> -> vector<8x8xf32>
    %get3A_15 = arith.constant 0 : index
    %get3A_16 = arith.constant 0 : index
    %get3A_17 = vector.load %arg1[%get3A_15, %get3A_16] : memref<8x512xf32, #tpu.memory_space<vmem>>, vector<8x512xf32>
    %get3A_18 = arith.constant 0 : index
    %get3A_19 = arith.constant 0 : index
    %get3A_20 = vector.load %arg2[%get3A_18, %get3A_19] : memref<4x512xf32, #tpu.memory_space<vmem>>, vector<4x512xf32>
    %dot_general3A_21 = arith.constant dense<0.000000e+00> : vector<8x4xf32>
    %dot_general3A_22 = tpu.matmul %get3A_17, %get3A_20, %dot_general3A_21 {dimension_numbers = #tpu.dot_dimension_numbers<[1], [1], [0], [0], [0, 0, 1, 0], [], []>, transpose_lhs_hint = false} : vector<8x512xf32>, vector<4x512xf32>, vector<8x4xf32> -> vector<8x4xf32>
    %dot_general3A_23 = arith.constant dense<0.000000e+00> : vector<8x4xf32>
    %dot_general3A_24 = tpu.matmul %dot_general3A_14, %dot_general3A_22, %dot_general3A_23 {dimension_numbers = #tpu.dot_dimension_numbers<[1], [0], [0], [1], [0, 0, 1, 1], [], []>, transpose_lhs_hint = false} : vector<8x8xf32>, vector<8x4xf32>, vector<8x4xf32> -> vector<8x4xf32>
    %get3A_25 = arith.constant 0 : index
    %get3A_26 = arith.constant 0 : index
    %get3A_27 = vector.load %arg3[%get3A_25, %get3A_26] : memref<1x4xf32, #tpu.memory_space<vmem>>, vector<1x4xf32>
    %add3A_28 = vector.broadcast %get3A_27 : vector<1x4xf32> to vector<8x4xf32>
    %add3A_29 = arith.addf %dot_general3A_24, %add3A_28 : vector<8x4xf32>
    %max3A = arith.constant 0.000000e+00 : f32
    %max3A_30 = vector.broadcast %max3A : f32 to vector<8x4xf32>
    %max3A_31 = arith.maximumf %add3A_29, %max3A_30 : vector<8x4xf32>
    %get3A_32 = arith.constant 0 : index
    %get3A_33 = arith.constant 0 : index
    %get3A_34 = vector.load %arg4[%get3A_32, %get3A_33] : memref<8x4xf32, #tpu.memory_space<vmem>>, vector<8x4xf32>
    %dot_general3A_35 = arith.constant dense<0.000000e+00> : vector<8x8xf32>
    %dot_general3A_36 = tpu.matmul %max3A_31, %get3A_34, %dot_general3A_35 {dimension_numbers = #tpu.dot_dimension_numbers<[1], [1], [0], [0], [0, 0, 1, 0], [], []>, transpose_lhs_hint = false} : vector<8x4xf32>, vector<8x4xf32>, vector<8x8xf32> -> vector<8x8xf32>
    %dot_general3A_37 = arith.constant dense<0.000000e+00> : vector<8x8xf32>
    %dot_general3A_38 = tpu.matmul %dot_general3A_14, %dot_general3A_36, %dot_general3A_37 {dimension_numbers = #tpu.dot_dimension_numbers<[1], [0], [0], [1], [0, 0, 1, 1], [], []>, transpose_lhs_hint = false} : vector<8x8xf32>, vector<8x8xf32>, vector<8x8xf32> -> vector<8x8xf32>
    %get3A_39 = arith.constant 0 : index
    %get3A_40 = arith.constant 0 : index
    %get3A_41 = vector.load %arg5[%get3A_39, %get3A_40] : memref<1x8xf32, #tpu.memory_space<vmem>>, vector<1x8xf32>
    %add3A_42 = vector.broadcast %get3A_41 : vector<1x8xf32> to vector<8x8xf32>
    %add3A_43 = arith.addf %dot_general3A_38, %add3A_42 : vector<8x8xf32>
    %max3A_44 = arith.constant 0.000000e+00 : f32
    %max3A_45 = vector.broadcast %max3A_44 : f32 to vector<8x8xf32>
    %max3A_46 = arith.maximumf %add3A_43, %max3A_45 : vector<8x8xf32>
    %get3A_47 = arith.constant 0 : index
    %get3A_48 = arith.constant 0 : index
    %get3A_49 = vector.load %arg6[%get3A_47, %get3A_48] : memref<16x8xf32, #tpu.memory_space<vmem>>, vector<16x8xf32>
    %dot_general3A_50 = arith.constant dense<0.000000e+00> : vector<8x16xf32>
    %dot_general3A_51 = tpu.matmul %max3A_46, %get3A_49, %dot_general3A_50 {dimension_numbers = #tpu.dot_dimension_numbers<[1], [1], [0], [0], [0, 0, 1, 0], [], []>, transpose_lhs_hint = false} : vector<8x8xf32>, vector<16x8xf32>, vector<8x16xf32> -> vector<8x16xf32>
    %dot_general3A_52 = arith.constant dense<0.000000e+00> : vector<8x16xf32>
    %dot_general3A_53 = tpu.matmul %dot_general3A_14, %dot_general3A_51, %dot_general3A_52 {dimension_numbers = #tpu.dot_dimension_numbers<[1], [0], [0], [1], [0, 0, 1, 1], [], []>, transpose_lhs_hint = false} : vector<8x8xf32>, vector<8x16xf32>, vector<8x16xf32> -> vector<8x16xf32>
    %get3A_54 = arith.constant 0 : index
    %get3A_55 = arith.constant 0 : index
    %get3A_56 = vector.load %arg7[%get3A_54, %get3A_55] : memref<1x16xf32, #tpu.memory_space<vmem>>, vector<1x16xf32>
    %add3A_57 = vector.broadcast %get3A_56 : vector<1x16xf32> to vector<8x16xf32>
    %add3A_58 = arith.addf %dot_general3A_53, %add3A_57 : vector<8x16xf32>
    %max3A_59 = arith.constant 0.000000e+00 : f32
    %max3A_60 = vector.broadcast %max3A_59 : f32 to vector<8x16xf32>
    %max3A_61 = arith.maximumf %add3A_58, %max3A_60 : vector<8x16xf32>
    %get3A_62 = arith.constant 0 : index
    %get3A_63 = arith.constant 0 : index
    %get3A_64 = vector.load %arg9[%get3A_62, %get3A_63] : memref<1x64xf32, #tpu.memory_space<vmem>>, vector<1x64xf32>
    %slice3A = vector.extract_strided_slice %max3A_61 {offsets = [0, 0], sizes = [1, 16], strides = [1, 1]} : vector<8x16xf32> to vector<1x16xf32>
    %get3A_65 = arith.constant 0 : index
    %get3A_66 = arith.constant 0 : index
    %get3A_67 = vector.load %arg8[%get3A_65, %get3A_66] : memref<128x64xf32, #tpu.memory_space<vmem>>, vector<16x64xf32>
    %dot_general3A_68 = arith.constant dense<0.000000e+00> : vector<1x64xf32>
    %dot_general3A_69 = tpu.matmul %slice3A, %get3A_67, %dot_general3A_68 {dimension_numbers = #tpu.dot_dimension_numbers<[1], [0], [0], [1], [0, 0, 1, 1], [], []>, transpose_lhs_hint = false} : vector<1x16xf32>, vector<16x64xf32>, vector<1x64xf32> -> vector<1x64xf32>
    %add3A_70 = arith.addf %get3A_64, %dot_general3A_69 : vector<1x64xf32>
    %slice3A_71 = vector.extract_strided_slice %max3A_61 {offsets = [1, 0], sizes = [1, 16], strides = [1, 1]} : vector<8x16xf32> to vector<1x16xf32>
    %get3A_72 = arith.constant 16 : index
    %get3A_73 = arith.constant 0 : index
    %get3A_74 = vector.load %arg8[%get3A_72, %get3A_73] : memref<128x64xf32, #tpu.memory_space<vmem>>, vector<16x64xf32>
    %dot_general3A_75 = arith.constant dense<0.000000e+00> : vector<1x64xf32>
    %dot_general3A_76 = tpu.matmul %slice3A_71, %get3A_74, %dot_general3A_75 {dimension_numbers = #tpu.dot_dimension_numbers<[1], [0], [0], [1], [0, 0, 1, 1], [], []>, transpose_lhs_hint = false} : vector<1x16xf32>, vector<16x64xf32>, vector<1x64xf32> -> vector<1x64xf32>
    %add3A_77 = arith.addf %add3A_70, %dot_general3A_76 : vector<1x64xf32>
    %slice3A_78 = vector.extract_strided_slice %max3A_61 {offsets = [2, 0], sizes = [1, 16], strides = [1, 1]} : vector<8x16xf32> to vector<1x16xf32>
    %get3A_79 = arith.constant 32 : index
    %get3A_80 = arith.constant 0 : index
    %get3A_81 = vector.load %arg8[%get3A_79, %get3A_80] : memref<128x64xf32, #tpu.memory_space<vmem>>, vector<16x64xf32>
    %dot_general3A_82 = arith.constant dense<0.000000e+00> : vector<1x64xf32>
    %dot_general3A_83 = tpu.matmul %slice3A_78, %get3A_81, %dot_general3A_82 {dimension_numbers = #tpu.dot_dimension_numbers<[1], [0], [0], [1], [0, 0, 1, 1], [], []>, transpose_lhs_hint = false} : vector<1x16xf32>, vector<16x64xf32>, vector<1x64xf32> -> vector<1x64xf32>
    %add3A_84 = arith.addf %add3A_77, %dot_general3A_83 : vector<1x64xf32>
    %slice3A_85 = vector.extract_strided_slice %max3A_61 {offsets = [3, 0], sizes = [1, 16], strides = [1, 1]} : vector<8x16xf32> to vector<1x16xf32>
    %get3A_86 = arith.constant 48 : index
    %get3A_87 = arith.constant 0 : index
    %get3A_88 = vector.load %arg8[%get3A_86, %get3A_87] : memref<128x64xf32, #tpu.memory_space<vmem>>, vector<16x64xf32>
    %dot_general3A_89 = arith.constant dense<0.000000e+00> : vector<1x64xf32>
    %dot_general3A_90 = tpu.matmul %slice3A_85, %get3A_88, %dot_general3A_89 {dimension_numbers = #tpu.dot_dimension_numbers<[1], [0], [0], [1], [0, 0, 1, 1], [], []>, transpose_lhs_hint = false} : vector<1x16xf32>, vector<16x64xf32>, vector<1x64xf32> -> vector<1x64xf32>
    %add3A_91 = arith.addf %add3A_84, %dot_general3A_90 : vector<1x64xf32>
    %slice3A_92 = vector.extract_strided_slice %max3A_61 {offsets = [4, 0], sizes = [1, 16], strides = [1, 1]} : vector<8x16xf32> to vector<1x16xf32>
    %get3A_93 = arith.constant 64 : index
    %get3A_94 = arith.constant 0 : index
    %get3A_95 = vector.load %arg8[%get3A_93, %get3A_94] : memref<128x64xf32, #tpu.memory_space<vmem>>, vector<16x64xf32>
    %dot_general3A_96 = arith.constant dense<0.000000e+00> : vector<1x64xf32>
    %dot_general3A_97 = tpu.matmul %slice3A_92, %get3A_95, %dot_general3A_96 {dimension_numbers = #tpu.dot_dimension_numbers<[1], [0], [0], [1], [0, 0, 1, 1], [], []>, transpose_lhs_hint = false} : vector<1x16xf32>, vector<16x64xf32>, vector<1x64xf32> -> vector<1x64xf32>
    %add3A_98 = arith.addf %add3A_91, %dot_general3A_97 : vector<1x64xf32>
    %slice3A_99 = vector.extract_strided_slice %max3A_61 {offsets = [5, 0], sizes = [1, 16], strides = [1, 1]} : vector<8x16xf32> to vector<1x16xf32>
    %get3A_100 = arith.constant 80 : index
    %get3A_101 = arith.constant 0 : index
    %get3A_102 = vector.load %arg8[%get3A_100, %get3A_101] : memref<128x64xf32, #tpu.memory_space<vmem>>, vector<16x64xf32>
    %dot_general3A_103 = arith.constant dense<0.000000e+00> : vector<1x64xf32>
    %dot_general3A_104 = tpu.matmul %slice3A_99, %get3A_102, %dot_general3A_103 {dimension_numbers = #tpu.dot_dimension_numbers<[1], [0], [0], [1], [0, 0, 1, 1], [], []>, transpose_lhs_hint = false} : vector<1x16xf32>, vector<16x64xf32>, vector<1x64xf32> -> vector<1x64xf32>
    %add3A_105 = arith.addf %add3A_98, %dot_general3A_104 : vector<1x64xf32>
    %slice3A_106 = vector.extract_strided_slice %max3A_61 {offsets = [6, 0], sizes = [1, 16], strides = [1, 1]} : vector<8x16xf32> to vector<1x16xf32>
    %get3A_107 = arith.constant 96 : index
    %get3A_108 = arith.constant 0 : index
    %get3A_109 = vector.load %arg8[%get3A_107, %get3A_108] : memref<128x64xf32, #tpu.memory_space<vmem>>, vector<16x64xf32>
    %dot_general3A_110 = arith.constant dense<0.000000e+00> : vector<1x64xf32>
    %dot_general3A_111 = tpu.matmul %slice3A_106, %get3A_109, %dot_general3A_110 {dimension_numbers = #tpu.dot_dimension_numbers<[1], [0], [0], [1], [0, 0, 1, 1], [], []>, transpose_lhs_hint = false} : vector<1x16xf32>, vector<16x64xf32>, vector<1x64xf32> -> vector<1x64xf32>
    %add3A_112 = arith.addf %add3A_105, %dot_general3A_111 : vector<1x64xf32>
    %slice3A_113 = vector.extract_strided_slice %max3A_61 {offsets = [7, 0], sizes = [1, 16], strides = [1, 1]} : vector<8x16xf32> to vector<1x16xf32>
    %get3A_114 = arith.constant 112 : index
    %get3A_115 = arith.constant 0 : index
    %get3A_116 = vector.load %arg8[%get3A_114, %get3A_115] : memref<128x64xf32, #tpu.memory_space<vmem>>, vector<16x64xf32>
    %dot_general3A_117 = arith.constant dense<0.000000e+00> : vector<1x64xf32>
    %dot_general3A_118 = tpu.matmul %slice3A_113, %get3A_116, %dot_general3A_117 {dimension_numbers = #tpu.dot_dimension_numbers<[1], [0], [0], [1], [0, 0, 1, 1], [], []>, transpose_lhs_hint = false} : vector<1x16xf32>, vector<16x64xf32>, vector<1x64xf32> -> vector<1x64xf32>
    %add3A_119 = arith.addf %add3A_112, %dot_general3A_118 : vector<1x64xf32>
    %max3A_120 = arith.constant 0.000000e+00 : f32
    %max3A_121 = vector.broadcast %max3A_120 : f32 to vector<1x64xf32>
    %max3A_122 = arith.maximumf %add3A_119, %max3A_121 : vector<1x64xf32>
    %get3A_123 = arith.constant 0 : index
    %get3A_124 = arith.constant 0 : index
    %get3A_125 = vector.load %arg10[%get3A_123, %get3A_124] : memref<16x64xf32, #tpu.memory_space<vmem>>, vector<16x64xf32>
    %dot_general3A_126 = arith.constant dense<0.000000e+00> : vector<1x16xf32>
    %dot_general3A_127 = tpu.matmul %max3A_122, %get3A_125, %dot_general3A_126 {dimension_numbers = #tpu.dot_dimension_numbers<[1], [1], [0], [0], [0, 0, 1, 0], [], []>, transpose_lhs_hint = false} : vector<1x64xf32>, vector<16x64xf32>, vector<1x16xf32> -> vector<1x16xf32>
    %get3A_128 = arith.constant 0 : index
    %get3A_129 = arith.constant 0 : index
    %get3A_130 = vector.load %arg11[%get3A_128, %get3A_129] : memref<1x16xf32, #tpu.memory_space<vmem>>, vector<1x16xf32>
    %add3A_131 = arith.addf %dot_general3A_127, %get3A_130 : vector<1x16xf32>
    %swap3A = arith.constant 0 : index
    %swap3A_132 = arith.constant 0 : index
    %swap3A_133 = vector.load %arg12[%swap3A, %swap3A_132] : memref<1x16xf32, #tpu.memory_space<vmem>>, vector<1x16xf32>
    tpu.vector_store %arg12[%swap3A, %swap3A_132], %add3A_131 {strides = array<i32>} : memref<1x16xf32, #tpu.memory_space<vmem>>, vector<1x16xf32>,
    return
  }
}

</mosaic_0001>

<sc_bundles>
// kernel: kernel.4.cloned.1.call-start
scs
__scs_entry_jumppad:
0x0: {  	(pc) =	sbr.rel $0x88, $3  }
0x1: {  	(tag) =	ssettag $0x0;
	lr =	simm.s32 $0x1  }
0x2: {  	[smem:$0x3F95] =	sst lr;
	_ =	strace $0xD0000000  }
0x3: {  	_ = 	snop  }
0x4: {  	_ = 	snop  }
0x5: {  	_ = 	snop  }
0x6: {  	_ = 	snop  }
0x7: {  	_ = 	snop  }
__scs_overlays_trampoline_lowered:
0x8: {  	[smem:$0x3FA4] =	sst s0  }
0x9: {  	[smem:$0x3FA5] =	sst s1  }
0xa: {  	[smem:$0x3FA6] =	sst s2  }
0xb: {  	[smem:$0x3FA7] =	sst s3  }
0xc: {  	[smem:$0x3FA8] =	sst s4  }
0xd: {  	[smem:$0x3FA9] =	sst s5  }
0xe: {  	[smem:$0x3FAA] =	sst s6  }
0xf: {  	[smem:$0x3FAB] =	sst s7  }
0x10: {  	[smem:$0x3FAC] =	sst s8  }
0x11: {  	[smem:$0x3FAD] =	sst s9;
	s0 =	simm.s32 @!p0 $0x0  }
0x12: {  	s1 =	sld [smem:$0x3F93];
	s0 =	simm.s32 @p0 $0x1  }
0x13: {  	[smem:$0x3FAE] =	sst s0;
	s0 =	simm.s32 @!p1 $0x0  }
0x14: {  	s2 =	sld [smem:$0x3F92];
	s0 =	simm.s32 @p1 $0x1  }
0x15: {  	[smem:$0x3FAF] =	sst s0;
	s0 =	simm.s32 @!p2 $0x0  }
0x16: {  	s3 =	sld [smem:$0x3FDB];
	s0 =	simm.s32 @p2 $0x1  }
0x17: {  	s4 =	simm.s32 $0x1BF5;
	[smem:$0x3FB1] =	sst s0  }
0x18: {  	s0 =	sld [smem:$0x3F94];
	_ =	swait.ge [sflag:s4], $0x0  }
0x19: {  	s7 =	sld [smem:$0x3F95]  }
0x1a: {  	s8 =	sadd.s32 $0xFFFFE003, lr  }
0x1b: {  	s9 =	sadd.s32 $0xFFFFFEF7, lr;
	s5 =	simm.s32 $0xFFFFFFFF;
	p2 =	slt.u32 s8, $0xFFFFF086  }
0x1c: {  	p1 =	slt.u32 s9, $0xF7A;
	s5 =	simm.s32 @!p2 $0x0  }
0x1d: {  	s5 =	simm.s32 @p1 $0x1;
	p0 =	seq.s32 s7, s2  }
0x1e: {  	s7 =	smul.u32 @!p0 $0xF7A, s2;
	p2 =	seq.s32 @!p0 s5, $0x0  }
0x1f: {  	s9 =	smul.u32 $0xF7A, s1;
	s8 =	simm.s32 @!p0 $0x1BF5;
	p2 =	por !p2, p0  }
0x20: {  	[sflag:s8] =	ssyncset.s32 @!p0 $0xFFFFF086;
	s6 =	sadd.s32 @!p0 s3, s7;
	s7 =	simm.s32 @!p0 $0x108  }
0x21: {  	s3 =	sadd.s32 s3, s9;
	s6 =	sadd.s32 @!p0 $0x88, s6;
	s7 =	simm.s32 @p2 $0x1082  }
0x22: {  	[simem:s7], [sflag:s8] =	dma.local @!p0 [hbm:s6], $0xF7A  }
0x23: {  	s9 =	sor.u32 $0xD0000000, s2;
	s6 =	simm.s32 $0x108;
	_ =	swait.ge @!p0 [sflag:s8], $0x0  }
0x24: {  	s3 =	sadd.s32 $0x88, s3;
	s6 =	simm.s32 @!p1 $0x1082;
	[sflag:s4] =	ssyncset.s32 $0xFFFFF086  }
0x25: {  	[simem:s6], [sflag:s4] =	dma.local [hbm:s3], $0xF7A  }
0x26: {  	[smem:$0x3F95] =	sst s1;
	(tag) =	ssettag s2;
	_ =	strace s9  }
0x27: {  	s1 =	sld [smem:$0x3FA5]  }
0x28: {  	s2 =	sld [smem:$0x3FA6]  }
0x29: {  	s4 =	sld [smem:$0x3FA8]  }
0x2a: {  	p0 =	seq.s32 s5, $0x0;
	s5 =	sld [smem:$0x3FA9]  }
0x2b: {  	s6 =	sld [smem:$0x3FAA]  }
0x2c: {  	s7 =	sld [smem:$0x3FAB]  }
0x2d: {  	s3 =	simm.s32 $0x108;
	s8 =	sld [smem:$0x3FAC]  }
0x2e: {  	s3 =	simm.s32 @!p0 $0x1082;
	s9 =	sld [smem:$0x3FAD]  }
0x2f: {  	lr =	sadd.s32 s0, s3;
	s0 =	sld [smem:$0x3FA4]  }
0x30: {  	s3 =	sld [smem:$0x3FA7]  }
0x31: {  	[smem:$0x3FB0] =	sst s10  }
0x32: {  	s10 =	sld [smem:$0x3FAE];
	_ =	sdelay $0x3  }
0x33: {  	p0 =	seq.s32 s10, $0x1;
	s10 =	sld [smem:$0x3FB0];
	_ =	sdelay $0x3  }
0x34: {  	[smem:$0x3FB0] =	sst s10  }
0x35: {  	s10 =	sld [smem:$0x3FAF];
	_ =	sdelay $0x3  }
0x36: {  	p1 =	seq.s32 s10, $0x1;
	s10 =	sld [smem:$0x3FB0];
	_ =	sdelay $0x3  }
0x37: {  	[smem:$0x3FB0] =	sst s10  }
0x38: {  	s10 =	sld [smem:$0x3FB1]  }
0x39: {  	_ = 	snop;
	(pc) =	sbr.ind lr, $3  }
0x3a: {  	_ = 	snop  }
0x3b: {  	_ = 	snop  }
0x3c: {  	p2 =	seq.s32 s10, $0x1;
	s10 =	sld [smem:$0x3FB0]  }
0x3d: {  	_ =	shalt  }
0x3e: {  	_ =	shalt  }
0x3f: {  	_ =	shalt  }
0x40: {  	_ =	shalt  }
0x41: {  	_ =	shalt  }
0x42: {  	_ =	shalt  }
0x43: {  	_ =	shalt  }
0x44: {  	_ =	shalt  }
0x45: {  	_ =	shalt  }
0x46: {  	_ =	shalt  }
0x47: {  	_ =	shalt  }
0x48: {  	_ =	shalt  }
0x49: {  	_ =	shalt  }
0x4a: {  	_ =	shalt  }
0x4b: {  	_ =	shalt  }
0x4c: {  	_ =	shalt  }
0x4d: {  	_ =	shalt  }
0x4e: {  	_ =	shalt  }
0x4f: {  	_ =	shalt  }
0x50: {  	_ =	shalt  }
0x51: {  	_ =	shalt  }
0x52: {  	_ =	shalt  }
0x53: {  	_ =	shalt  }
0x54: {  	_ =	shalt  }
0x55: {  	_ =	shalt  }
0x56: {  	_ =	shalt  }
0x57: {  	_ =	shalt  }
0x58: {  	_ =	shalt  }
0x59: {  	_ =	shalt  }
0x5a: {  	_ =	shalt  }
0x5b: {  	_ =	shalt  }
0x5c: {  	_ =	shalt  }
0x5d: {  	_ =	shalt  }
0x5e: {  	_ =	shalt  }
0x5f: {  	_ =	shalt  }
0x60: {  	_ =	shalt  }
0x61: {  	_ =	shalt  }
0x62: {  	_ =	shalt  }
0x63: {  	_ =	shalt  }
0x64: {  	_ =	shalt  }
0x65: {  	_ =	shalt  }
0x66: {  	_ =	shalt  }
0x67: {  	_ =	shalt  }
0x68: {  	_ =	shalt  }
0x69: {  	_ =	shalt  }
0x6a: {  	_ =	shalt  }
0x6b: {  	_ =	shalt  }
0x6c: {  	_ =	shalt  }
0x6d: {  	_ =	shalt  }
0x6e: {  	_ =	shalt  }
0x6f: {  	_ =	shalt  }
0x70: {  	_ =	shalt  }
0x71: {  	_ =	shalt  }
0x72: {  	_ =	shalt  }
0x73: {  	_ =	shalt  }
0x74: {  	_ =	shalt  }
0x75: {  	_ =	shalt  }
0x76: {  	_ =	shalt  }
0x77: {  	_ =	shalt  }
0x78: {  	_ =	shalt  }
0x79: {  	_ =	shalt  }
0x7a: {  	_ =	shalt  }
0x7b: {  	_ =	shalt  }
0x7c: {  	_ =	shalt  }
0x7d: {  	_ =	shalt  }
0x7e: {  	_ =	shalt  }
0x7f: {  	_ =	shalt  }
0x80: {  	_ =	shalt  }
0x81: {  	_ =	shalt  }
0x82: {  	_ =	shalt  }
0x83: {  	_ =	shalt  }
0x84: {  	_ =	shalt  }
0x85: {  	_ =	shalt  }
0x86: {  	_ =	shalt  }
0x87: {  	_ =	shalt  }
.Lfunc_end0:
.L_simem_size_0:
called_computation_lowered:
.L_overlay_start_0:
0x88: {  	s2 =	sld [smem:$0x3FD9]  }
0x89: {  	s3 =	sld [smem:$0x3FFE];
	_ =	sdelay $0x1  }
0x8a: {  	s1 =	srdreg.scid  }
0x8b: {  	s0 =	sand.u32 $0x1, s1  }
0x8c: {  	s17 =	sshll.u32 s0, $0xA;
	s2 =	sadd.s32 s3, s2  }
0x8d: {  	s2 =	sadd.s32 s2, s17  }
0x8e: {  	[smem:$0x3FBC] =	sst s2  }
0x8f: {  	_ = 	snop  }
0x90: {  	s2 =	sld [smem:$0x3FC8];
	(tm) =	ssettm $0x1  }
0x91: {  	s18 =	sld [smem:$0x3FFB];
	_ =	sdelay $0x3  }
0x92: {  	_ =	strace s18  }
0x93: {  	s3 =	sld [smem:$0x3FFC];
	_ =	sdelay $0x3  }
0x94: {  	_ =	strace s3  }
0x95: {  	s3 =	sld [smem:$0x3FFD];
	_ =	sdelay $0x3  }
0x96: {  	_ =	strace s3  }
0x97: {  	_ =	strace $0x8FFFFFFF  }
0x98: {  	s19 =	sld [smem:$0x3FDB];
	_ =	sdelay $0x1  }
0x99: {  	s4 =	simm.s32 $_scs_section_size  }
0x9a: {  	s5 =	simm.s32 $_size__tile_overlayer_lowered;
	s6 =	simm.s32 $_tile_overlayer_lowered  }
0x9b: {  	s22 =	simm.s32 $0x1BFF;
	s21 =	sshll.u32 s6, $0x1;
	s3 =	sadd.s32 s4, s19  }
0x9c: {  	s7 =	simm.s32 $0x0;
	s20 =	sshll.u32 s5, $0x1;
	s5 =	sadd.s32 s21, s3  }
0x9d: {  	[timem:s7], [sflag:s22] =	dma.local [hbm:s5], s20  }
0x9e: {  	_ =	swait.ge [sflag:s22], s20  }
0x9f: {  	s4 =	ssub.s32 $0x0, s20;
	[sflag:s22] =	ssyncset.done $0x0  }
0xa0: {  	[sflag:s22] =	ssyncadd.s32 s4;
	_ =	sdelay $0x1  }
0xa1: {  	s23 =	simm.s32 $0x1B8B  }
0xa2: {  	_ =	swait.ge [sflag:s23], $0x1  }
0xa3: {  	[sflag:s23] =	ssyncset.done $0x0  }
0xa4: {  	s25 =	simm.s32 $0x1B8E;
	s24 =	sld [smem:$0x3FFE];
	[sflag:s23] =	ssyncadd.s32 $0xFFFFFFFF  }
0xa5: {  	s26 =	simm.s32 $execute0_lowered;
	[smem:$0x3FD2] =	sst s25  }
0xa6: {  	s5 =	sshll.u32 s26, $0x1;
	_ =	strace $0x80000046;
	[dreg:$0x1] =	wrdreg $0xFFFFFFFF  }
0xa7: {  	s28 =	simm.s32 $_size_execute0_lowered;
	s3 =	sadd.s32 s3, s5;
	[dreg:$0x0] =	wrdreg $0x0  }
0xa8: {  	s5 =	sshll.u32 s28, $0x1;
	[dreg:$0x2] =	wrdreg s3  }
0xa9: {  	[dreg:$0x3] =	wrdreg s5  }
0xaa: {  	[dreg:$0x4] =	wrdreg $0xC0  }
0xab: {  	_ =	task [dreg:s7], $0x5FFFF  }
0xac: {  	[dreg:$0x1] =	wrdreg $0xFFFFFFFF  }
0xad: {  	[dreg:$0x0] =	wrdreg $0x60  }
0xae: {  	[dreg:$0x2] =	wrdreg s2  }
0xaf: {  	[dreg:$0x3] =	wrdreg s24  }
0xb0: {  	[dreg:$0x4] =	wrdreg $0x9  }
0xb1: {  	_ =	task.clear_ibuf [dreg:s7], $0x5FFFF;
	_ =	strace $0x90000046  }
0xb2: {  	s29 =	simm.s32 $0x9;
	_ =	strace $0x80000048  }
0xb3: {  	_ =	swait.ge [sflag:s29], $0x1  }
0xb4: {  	[sflag:s29] =	ssyncadd.s32 $0xFFFFFFFF  }
0xb5: {  	_ =	strace $0x90000048  }
0xb6: {  	_ =	sfence  }
0xb7: {  	s30 =	sld [smem:$0x0];
	_ =	sdelay $0x2  }
0xb8: {  	s31 =	sshll.u32 s1, $0xD;
	s1 =	sshrl.u32 s1, $0x2  }
0xb9: {  	s3 =	sand.u32 $0x4000, s31;
	s1 =	sadd.s32 s1, s30  }
0xba: {  	s0 =	sor.u32 s3, s0;
	s1 =	sshll.u32 s1, $0x11  }
0xbb: {  	s0 =	sor.u32 s1, s0  }
0xbc: {  	s0 =	sadd.s32 $0x8F2B, s0  }
0xbd: {  	[sflag:s0] =	ssyncadd.remote.s32 $0x1  }
0xbe: {  	_ =	sfence.sel $0xFFFF  }
0xbf: {  	[dreg:$0x0] =	wrdreg $0xFFFFFFFF;
	(pc) =	sbr.abs _section_cstart, $3  }
0xc0: {  	[dreg:$0x1] =	wrdreg $0xFFFFFFFF  }
0xc1: {  	_ =	task.clear_ibuf [dreg:s7], $0x2FFFF;
	_ =	strace $0x9FFFFFFF  }
0xc2: {  	(tm) =	ssettm $0x7FFFFFFF  }
0xc3: {  	_ =	shalt  }
tec
execute0_lowered:
.L_overlay_start_1:
0x0: {  	(tag) =	ssettag $0x1  }
0x1: {  	s3 =	rddreg [dreg:$0x0]  }
0x2: {  	s4 =	rddreg [dreg:$0x1]  }
0x3: {  	s0 =	rddreg [dreg:$0x2];
	s2 =	simm.s32 $0x0;
	s5 =	srdreg.scid  }
0x4: {  	s1 =	stileid.u32;
	s13 =	simm.s32 $0x1;
	s14 =	simm.s32 $0x3  }
0x5: {  	s15 =	simm.s32 $0x8000;
	s16 =	simm.s32 $0x2;
	s17 =	simm.s32 $0x4  }
0x6: {  	s18 =	simm.s32 $0x8400;
	s19 =	simm.s32 $0x5;
	s20 =	simm.s32 $0x0  }
0x7: {  	[smem:$0x7FF] =	sst s2;
	s5 =	sand.u32 $0x1, s5;
	s6 =	sshll.u32 s1, $0x1  }
0x8: {  	_ =	strace $0x80000047;
	s6 =	sor.u32 s5, s6;
	s5 =	ssub.s32 $0x2, s5  }
0x9: {  	s7 =	sshll.u32 s6, $0x3;
	s6 =	sshll.u32 s6, $0xD;
	s31 =	sshrl.u32 s5, $0x1  }
0xa: {  	s11 =	sadd.s32 s7, s4;
	s3 =	sadd.s32 s3, s6;
	s12 =	ssub.s32 s5, s31  }
0xb: {  	s4 =	sadd.s32 $0x10, s3;
	s5 =	sadd.s32 $0x800, s3;
	s6 =	sadd.s32 $0x810, s3  }
0xc: {  	v1 =	vlaneseq.u32;
	s7 =	sadd.s32 $0x1000, s3;
	s8 =	sadd.s32 $0x1010, s3;
	s9 =	sadd.s32 $0x1800, s3  }
0xd: {  	v0 =	vimm.f32 $0.0e+00;
	v2 =	vimm.f32 $1.000000000e+00;
	v1 =	vmul.u32 $0x40, v1;
	s10 =	sadd.s32 $0x1810, s3;
	s11 =	sadd.s32 $0x1A00, s11;
	s12 =	smax.u32 s12, $0x1  }
.LBB2_1:
0xe: {  	s21 =	simm.s32 $0x20  }
0xf: {  	s24 =	sadd.s32 $0x0, s3;
	s22 =	simm.s32 $0x100;
	s23 =	simm.s32 $0x0  }
.LBB2_2:
0x10: {  	[tilespmem:s23], [sflag:$0x1] =	stream.linear.gather [hbm4b:s24+s2], $0x80, $0x38;
	[tilespmem:$0x8480] =	vst v63  }
0x11: {  	s24 =	smov.u32 s21;
	s23 =	smov.u32 s22;
	p0 =	sne.s32 s21, $0x7E0  }
.Ltmp0:
0x12: {  	s21 =	sadd.s32 $0x20, s21;
	(pc) =	sbr.rel @p0 .LBB2_2-.Ltmp0, $2  }
0x13: {  	_ =	sdelay $0x2  }
0x14: {  	s22 =	sadd.s32 $0x100, s22;
	s24 =	sadd.s32 s24, s3  }
0x15: {  	[tilespmem:s23], [sflag:$0x1] =	stream.linear.gather [hbm4b:s24+s2], $0x80, $0x38;
	[tilespmem:$0x8480] =	vst v63  }
0x16: {  	s21 =	simm.s32 $0x4000  }
0x17: {  	s22 =	simm.s32 $0x20;
	s24 =	sadd.s32 $0x0, s4;
	s23 =	simm.s32 $0x4100  }
.LBB2_4:
0x18: {  	[tilespmem:s21], [sflag:$0x3] =	stream.linear.gather [hbm4b:s24+s2], $0x80, $0x38;
	[tilespmem:$0x8480] =	vst v63  }
0x19: {  	s24 =	smov.u32 s22;
	s21 =	smov.u32 s23;
	p0 =	sne.s32 s22, $0x7E0  }
.Ltmp1:
0x1a: {  	s22 =	sadd.s32 $0x20, s22;
	(pc) =	sbr.rel @p0 .LBB2_4-.Ltmp1, $2  }
0x1b: {  	_ =	sdelay $0x2  }
0x1c: {  	s23 =	sadd.s32 $0x100, s23;
	s24 =	sadd.s32 s24, s4  }
0x1d: {  	[tilespmem:s21], [sflag:$0x3] =	stream.linear.gather [hbm4b:s24+s2], $0x80, $0x38;
	[tilespmem:$0x8480] =	vst v63  }
0x1e: {  	[tilespmem:$0x8000] =	vst v0  }
0x1f: {  	[tilespmem:$0x8010] =	vst v0  }
0x20: {  	[tilespmem:$0x8020] =	vst v0  }
0x21: {  	[tilespmem:$0x8030] =	vst v0  }
0x22: {  	[tilespmem:$0x8040] =	vst v0  }
0x23: {  	[tilespmem:$0x8050] =	vst v0  }
0x24: {  	[tilespmem:$0x8060] =	vst v0  }
0x25: {  	[tilespmem:$0x8070] =	vst v0  }
0x26: {  	[tilespmem:$0x8080] =	vst v0  }
0x27: {  	[tilespmem:$0x8090] =	vst v0  }
0x28: {  	[tilespmem:$0x80A0] =	vst v0  }
0x29: {  	[tilespmem:$0x80B0] =	vst v0  }
0x2a: {  	[tilespmem:$0x80C0] =	vst v0  }
0x2b: {  	[tilespmem:$0x80D0] =	vst v0  }
0x2c: {  	[tilespmem:$0x80E0] =	vst v0  }
0x2d: {  	[tilespmem:$0x80F0] =	vst v0  }
0x2e: {  	[tilespmem:$0x8100] =	vst v0  }
0x2f: {  	[tilespmem:$0x8110] =	vst v0  }
0x30: {  	[tilespmem:$0x8120] =	vst v0  }
0x31: {  	[tilespmem:$0x8130] =	vst v0  }
0x32: {  	[tilespmem:$0x8140] =	vst v0  }
0x33: {  	[tilespmem:$0x8150] =	vst v0  }
0x34: {  	[tilespmem:$0x8160] =	vst v0  }
0x35: {  	[tilespmem:$0x8170] =	vst v0  }
0x36: {  	[tilespmem:$0x8180] =	vst v0  }
0x37: {  	[tilespmem:$0x8190] =	vst v0  }
0x38: {  	[tilespmem:$0x81A0] =	vst v0  }
0x39: {  	[tilespmem:$0x81B0] =	vst v0  }
0x3a: {  	[tilespmem:$0x81C0] =	vst v0  }
0x3b: {  	[tilespmem:$0x81D0] =	vst v0  }
0x3c: {  	[tilespmem:$0x81E0] =	vst v0  }
0x3d: {  	[tilespmem:$0x81F0] =	vst v0  }
0x3e: {  	[tilespmem:$0x8200] =	vst v0  }
0x3f: {  	[tilespmem:$0x8210] =	vst v0  }
0x40: {  	[tilespmem:$0x8220] =	vst v0  }
0x41: {  	[tilespmem:$0x8230] =	vst v0  }
0x42: {  	[tilespmem:$0x8240] =	vst v0  }
0x43: {  	[tilespmem:$0x8250] =	vst v0  }
0x44: {  	[tilespmem:$0x8260] =	vst v0  }
0x45: {  	[tilespmem:$0x8270] =	vst v0  }
0x46: {  	[tilespmem:$0x8280] =	vst v0  }
0x47: {  	[tilespmem:$0x8290] =	vst v0  }
0x48: {  	[tilespmem:$0x82A0] =	vst v0  }
0x49: {  	[tilespmem:$0x82B0] =	vst v0  }
0x4a: {  	[tilespmem:$0x82C0] =	vst v0  }
0x4b: {  	[tilespmem:$0x82D0] =	vst v0  }
0x4c: {  	[tilespmem:$0x82E0] =	vst v0  }
0x4d: {  	[tilespmem:$0x82F0] =	vst v0  }
0x4e: {  	[tilespmem:$0x8300] =	vst v0  }
0x4f: {  	[tilespmem:$0x8310] =	vst v0  }
0x50: {  	[tilespmem:$0x8320] =	vst v0  }
0x51: {  	[tilespmem:$0x8330] =	vst v0  }
0x52: {  	[tilespmem:$0x8340] =	vst v0  }
0x53: {  	[tilespmem:$0x8350] =	vst v0  }
0x54: {  	[tilespmem:$0x8360] =	vst v0  }
0x55: {  	[tilespmem:$0x8370] =	vst v0  }
0x56: {  	[tilespmem:$0x8380] =	vst v0  }
0x57: {  	[tilespmem:$0x8390] =	vst v0  }
0x58: {  	[tilespmem:$0x83A0] =	vst v0  }
0x59: {  	[tilespmem:$0x83B0] =	vst v0  }
0x5a: {  	[tilespmem:$0x83C0] =	vst v0  }
0x5b: {  	[tilespmem:$0x83D0] =	vst v0  }
0x5c: {  	s21 =	simm.s32 $0x80;
	[tilespmem:$0x83E0] =	vst v0  }
0x5d: {  	s22 =	simm.s32 $0x20;
	s24 =	sadd.s32 $0x0, s5;
	s23 =	simm.s32 $0x180;
	[tilespmem:$0x83F0] =	vst v0  }
.LBB2_6:
0x5e: {  	[tilespmem:s21], [sflag:$0x2] =	stream.linear.gather [hbm4b:s24+s2], $0x80, $0x38;
	[tilespmem:$0x8480] =	vst v63  }
0x5f: {  	s24 =	smov.u32 s22;
	s21 =	smov.u32 s23;
	p0 =	sne.s32 s22, $0x7E0  }
.Ltmp2:
0x60: {  	s22 =	sadd.s32 $0x20, s22;
	(pc) =	sbr.rel @p0 .LBB2_6-.Ltmp2, $2  }
0x61: {  	_ =	sdelay $0x2  }
0x62: {  	s23 =	sadd.s32 $0x100, s23;
	s24 =	sadd.s32 s24, s5  }
0x63: {  	[tilespmem:s21], [sflag:$0x2] =	stream.linear.gather [hbm4b:s24+s2], $0x80, $0x38;
	[tilespmem:$0x8480] =	vst v63  }
0x64: {  	s21 =	simm.s32 $0x4080  }
0x65: {  	s22 =	simm.s32 $0x20;
	s24 =	sadd.s32 $0x0, s6;
	s23 =	simm.s32 $0x4180  }
.LBB2_8:
0x66: {  	[tilespmem:s21], [sflag:$0x4] =	stream.linear.gather [hbm4b:s24+s2], $0x80, $0x38;
	[tilespmem:$0x8480] =	vst v63  }
0x67: {  	s24 =	smov.u32 s22;
	s21 =	smov.u32 s23;
	p0 =	sne.s32 s22, $0x7E0  }
.Ltmp3:
0x68: {  	s22 =	sadd.s32 $0x20, s22;
	(pc) =	sbr.rel @p0 .LBB2_8-.Ltmp3, $2  }
0x69: {  	_ =	sdelay $0x2  }
0x6a: {  	s23 =	sadd.s32 $0x100, s23;
	s24 =	sadd.s32 s24, s6  }
0x6b: {  	[tilespmem:s21], [sflag:$0x4] =	stream.linear.gather [hbm4b:s24+s2], $0x80, $0x38;
	[tilespmem:$0x8480] =	vst v63  }
0x6c: {  	_ =	swait.ge [sflag:s13], $0x2000  }
0x6d: {  	[sflag:s13] =	ssyncset.done $0x0  }
0x6e: {  	[sflag:s13] =	ssyncadd.s32 $0xFFFFE000  }
0x6f: {  	_ =	swait.ge [sflag:s14], $0x2000  }
0x70: {  	[sflag:s14] =	ssyncset.done $0x0  }
0x71: {  	s21 =	simm.s32 $0x0;
	[sflag:s14] =	ssyncadd.s32 $0xFFFFE000  }
.LBB2_10:
0x72: {  	s22 =	sshra.s32 s21, $0x2  }
0x73: {  	v3 =	vld [tilespmem:s22+$0x0]  }
0x74: {  	v4 =	vld [tilespmem:s22+$0x4000];
	_ =	sdelay $0x3  }
0x75: {  	v3 =	vshll.u32 v3, $0x3  }
0x76: {  	v3 =	vadd.s32 v4, v3  }
0x77: {  	v3 =	vadd.s32 v1, v3;
	_ =	sdelay $0x4  }
0x78: {  	[tilespmem:v3+s15+$0x0] =	vst.idx.add.f32.msk $0xffff, v2  }
0x79: {  	v3 =	vld [tilespmem:s22+$0x10]  }
0x7a: {  	v57 =	vld [tilespmem:s22+$0x4010];
	_ =	sdelay $0x3  }
0x7b: {  	v3 =	vshll.u32 v3, $0x3  }
0x7c: {  	v3 =	vadd.s32 v57, v3  }
0x7d: {  	v3 =	vadd.s32 v1, v3;
	_ =	sdelay $0x4  }
0x7e: {  	[tilespmem:v3+s15+$0x0] =	vst.idx.add.f32.msk $0xffff, v2  }
0x7f: {  	v3 =	vld [tilespmem:s22+$0x20]  }
0x80: {  	v58 =	vld [tilespmem:s22+$0x4020];
	_ =	sdelay $0x3  }
0x81: {  	v3 =	vshll.u32 v3, $0x3  }
0x82: {  	v3 =	vadd.s32 v58, v3  }
0x83: {  	v3 =	vadd.s32 v1, v3;
	_ =	sdelay $0x4  }
0x84: {  	[tilespmem:v3+s15+$0x0] =	vst.idx.add.f32.msk $0xffff, v2  }
0x85: {  	v3 =	vld [tilespmem:s22+$0x30]  }
0x86: {  	v59 =	vld [tilespmem:s22+$0x4030];
	_ =	sdelay $0x3  }
0x87: {  	v3 =	vshll.u32 v3, $0x3  }
0x88: {  	v3 =	vadd.s32 v59, v3  }
0x89: {  	v3 =	vadd.s32 v1, v3;
	_ =	sdelay $0x4  }
0x8a: {  	[tilespmem:v3+s15+$0x0] =	vst.idx.add.f32.msk $0xffff, v2  }
0x8b: {  	v3 =	vld [tilespmem:s22+$0x40]  }
0x8c: {  	v60 =	vld [tilespmem:s22+$0x4040];
	_ =	sdelay $0x3  }
0x8d: {  	v3 =	vshll.u32 v3, $0x3  }
0x8e: {  	v3 =	vadd.s32 v60, v3  }
0x8f: {  	v3 =	vadd.s32 v1, v3;
	_ =	sdelay $0x4  }
0x90: {  	[tilespmem:v3+s15+$0x0] =	vst.idx.add.f32.msk $0xffff, v2  }
0x91: {  	v3 =	vld [tilespmem:s22+$0x50]  }
0x92: {  	v61 =	vld [tilespmem:s22+$0x4050];
	_ =	sdelay $0x3  }
0x93: {  	v3 =	vshll.u32 v3, $0x3  }
0x94: {  	v3 =	vadd.s32 v61, v3  }
0x95: {  	v3 =	vadd.s32 v1, v3;
	_ =	sdelay $0x4  }
0x96: {  	[tilespmem:v3+s15+$0x0] =	vst.idx.add.f32.msk $0xffff, v2  }
0x97: {  	v3 =	vld [tilespmem:s22+$0x60]  }
0x98: {  	v62 =	vld [tilespmem:s22+$0x4060];
	_ =	sdelay $0x3  }
0x99: {  	v3 =	vshll.u32 v3, $0x3  }
0x9a: {  	v3 =	vadd.s32 v62, v3  }
0x9b: {  	v3 =	vadd.s32 v1, v3;
	_ =	sdelay $0x4  }
0x9c: {  	[tilespmem:v3+s15+$0x0] =	vst.idx.add.f32.msk $0xffff, v2  }
0x9d: {  	v3 =	vld [tilespmem:s22+$0x70]  }
0x9e: {  	v63 =	vld [tilespmem:s22+$0x4070];
	_ =	sdelay $0x3  }
0x9f: {  	v3 =	vshll.u32 v3, $0x3  }
0xa0: {  	v3 =	vadd.s32 v63, v3  }
0xa1: {  	p0 =	sne.s32 s21, $0xFC00;
	v3 =	vadd.s32 v1, v3  }
.Ltmp4:
0xa2: {  	_ = 	snop;
	(pc) =	sbr.rel @p0 .LBB2_10-.Ltmp4, $2  }
0xa3: {  	_ =	sdelay $0x2  }
0xa4: {  	s21 =	sadd.s32 $0x400, s21;
	[tilespmem:v3+s15+$0x0] =	vst.idx.add.f32.msk $0xffff, v2  }
0xa5: {  	s21 =	simm.s32 $0x0  }
0xa6: {  	s22 =	simm.s32 $0x20;
	s24 =	sadd.s32 $0x0, s7;
	s23 =	simm.s32 $0x100  }
.LBB2_12:
0xa7: {  	[tilespmem:s21], [sflag:$0x1] =	stream.linear.gather [hbm4b:s24+s2], $0x80, $0x38;
	[tilespmem:$0x8480] =	vst v63  }
0xa8: {  	s24 =	smov.u32 s22;
	s21 =	smov.u32 s23;
	p0 =	sne.s32 s22, $0x7E0  }
.Ltmp5:
0xa9: {  	s22 =	sadd.s32 $0x20, s22;
	(pc) =	sbr.rel @p0 .LBB2_12-.Ltmp5, $2  }
0xaa: {  	_ =	sdelay $0x2  }
0xab: {  	s23 =	sadd.s32 $0x100, s23;
	s24 =	sadd.s32 s24, s7  }
0xac: {  	[tilespmem:s21], [sflag:$0x1] =	stream.linear.gather [hbm4b:s24+s2], $0x80, $0x38;
	[tilespmem:$0x8480] =	vst v63  }
0xad: {  	s21 =	simm.s32 $0x4000  }
0xae: {  	s22 =	simm.s32 $0x20;
	s24 =	sadd.s32 $0x0, s8;
	s23 =	simm.s32 $0x4100  }
.LBB2_14:
0xaf: {  	[tilespmem:s21], [sflag:$0x3] =	stream.linear.gather [hbm4b:s24+s2], $0x80, $0x38;
	[tilespmem:$0x8480] =	vst v63  }
0xb0: {  	s24 =	smov.u32 s22;
	s21 =	smov.u32 s23;
	p0 =	sne.s32 s22, $0x7E0  }
.Ltmp6:
0xb1: {  	s22 =	sadd.s32 $0x20, s22;
	(pc) =	sbr.rel @p0 .LBB2_14-.Ltmp6, $2  }
0xb2: {  	_ =	sdelay $0x2  }
0xb3: {  	s23 =	sadd.s32 $0x100, s23;
	s24 =	sadd.s32 s24, s8  }
0xb4: {  	[tilespmem:s21], [sflag:$0x3] =	stream.linear.gather [hbm4b:s24+s2], $0x80, $0x38;
	[tilespmem:$0x8480] =	vst v63  }
0xb5: {  	_ =	swait.ge [sflag:s16], $0x2000  }
0xb6: {  	[sflag:s16] =	ssyncset.done $0x0  }
0xb7: {  	[sflag:s16] =	ssyncadd.s32 $0xFFFFE000  }
0xb8: {  	_ =	swait.ge [sflag:s17], $0x2000  }
0xb9: {  	[sflag:s17] =	ssyncset.done $0x0  }
0xba: {  	s21 =	simm.s32 $0x0;
	[sflag:s17] =	ssyncadd.s32 $0xFFFFE000  }
.LBB2_16:
0xbb: {  	s22 =	sshra.s32 s21, $0x2  }
0xbc: {  	v3 =	vld [tilespmem:s22+$0x80]  }
0xbd: {  	v4 =	vld [tilespmem:s22+$0x4080];
	_ =	sdelay $0x3  }
0xbe: {  	v3 =	vshll.u32 v3, $0x3  }
0xbf: {  	v3 =	vadd.s32 v4, v3  }
0xc0: {  	v3 =	vadd.s32 v1, v3;
	_ =	sdelay $0x4  }
0xc1: {  	[tilespmem:v3+s15+$0x0] =	vst.idx.add.f32.msk $0xffff, v2  }
0xc2: {  	v3 =	vld [tilespmem:s22+$0x90]  }
0xc3: {  	v57 =	vld [tilespmem:s22+$0x4090];
	_ =	sdelay $0x3  }
0xc4: {  	v3 =	vshll.u32 v3, $0x3  }
0xc5: {  	v3 =	vadd.s32 v57, v3  }
0xc6: {  	v3 =	vadd.s32 v1, v3;
	_ =	sdelay $0x4  }
0xc7: {  	[tilespmem:v3+s15+$0x0] =	vst.idx.add.f32.msk $0xffff, v2  }
0xc8: {  	v3 =	vld [tilespmem:s22+$0xA0]  }
0xc9: {  	v58 =	vld [tilespmem:s22+$0x40A0];
	_ =	sdelay $0x3  }
0xca: {  	v3 =	vshll.u32 v3, $0x3  }
0xcb: {  	v3 =	vadd.s32 v58, v3  }
0xcc: {  	v3 =	vadd.s32 v1, v3;
	_ =	sdelay $0x4  }
0xcd: {  	[tilespmem:v3+s15+$0x0] =	vst.idx.add.f32.msk $0xffff, v2  }
0xce: {  	v3 =	vld [tilespmem:s22+$0xB0]  }
0xcf: {  	v59 =	vld [tilespmem:s22+$0x40B0];
	_ =	sdelay $0x3  }
0xd0: {  	v3 =	vshll.u32 v3, $0x3  }
0xd1: {  	v3 =	vadd.s32 v59, v3  }
0xd2: {  	v3 =	vadd.s32 v1, v3;
	_ =	sdelay $0x4  }
0xd3: {  	[tilespmem:v3+s15+$0x0] =	vst.idx.add.f32.msk $0xffff, v2  }
0xd4: {  	v3 =	vld [tilespmem:s22+$0xC0]  }
0xd5: {  	v60 =	vld [tilespmem:s22+$0x40C0];
	_ =	sdelay $0x3  }
0xd6: {  	v3 =	vshll.u32 v3, $0x3  }
0xd7: {  	v3 =	vadd.s32 v60, v3  }
0xd8: {  	v3 =	vadd.s32 v1, v3;
	_ =	sdelay $0x4  }
0xd9: {  	[tilespmem:v3+s15+$0x0] =	vst.idx.add.f32.msk $0xffff, v2  }
0xda: {  	v3 =	vld [tilespmem:s22+$0xD0]  }
0xdb: {  	v61 =	vld [tilespmem:s22+$0x40D0];
	_ =	sdelay $0x3  }
0xdc: {  	v3 =	vshll.u32 v3, $0x3  }
0xdd: {  	v3 =	vadd.s32 v61, v3  }
0xde: {  	v3 =	vadd.s32 v1, v3;
	_ =	sdelay $0x4  }
0xdf: {  	[tilespmem:v3+s15+$0x0] =	vst.idx.add.f32.msk $0xffff, v2  }
0xe0: {  	v3 =	vld [tilespmem:s22+$0xE0]  }
0xe1: {  	v62 =	vld [tilespmem:s22+$0x40E0];
	_ =	sdelay $0x3  }
0xe2: {  	v3 =	vshll.u32 v3, $0x3  }
0xe3: {  	v3 =	vadd.s32 v62, v3  }
0xe4: {  	v3 =	vadd.s32 v1, v3;
	_ =	sdelay $0x4  }
0xe5: {  	[tilespmem:v3+s15+$0x0] =	vst.idx.add.f32.msk $0xffff, v2  }
0xe6: {  	v3 =	vld [tilespmem:s22+$0xF0]  }
0xe7: {  	v63 =	vld [tilespmem:s22+$0x40F0];
	_ =	sdelay $0x3  }
0xe8: {  	v3 =	vshll.u32 v3, $0x3  }
0xe9: {  	v3 =	vadd.s32 v63, v3  }
0xea: {  	p0 =	sne.s32 s21, $0xFC00;
	v3 =	vadd.s32 v1, v3  }
.Ltmp7:
0xeb: {  	_ = 	snop;
	(pc) =	sbr.rel @p0 .LBB2_16-.Ltmp7, $2  }
0xec: {  	_ =	sdelay $0x2  }
0xed: {  	s21 =	sadd.s32 $0x400, s21;
	[tilespmem:v3+s15+$0x0] =	vst.idx.add.f32.msk $0xffff, v2  }
0xee: {  	s21 =	simm.s32 $0x80  }
0xef: {  	s22 =	simm.s32 $0x20;
	s24 =	sadd.s32 $0x0, s9;
	s23 =	simm.s32 $0x180  }
.LBB2_18:
0xf0: {  	[tilespmem:s21], [sflag:$0x2] =	stream.linear.gather [hbm4b:s24+s2], $0x80, $0x38;
	[tilespmem:$0x8480] =	vst v63  }
0xf1: {  	s24 =	smov.u32 s22;
	s21 =	smov.u32 s23;
	p0 =	sne.s32 s22, $0x7E0  }
.Ltmp8:
0xf2: {  	s22 =	sadd.s32 $0x20, s22;
	(pc) =	sbr.rel @p0 .LBB2_18-.Ltmp8, $2  }
0xf3: {  	_ =	sdelay $0x2  }
0xf4: {  	s23 =	sadd.s32 $0x100, s23;
	s24 =	sadd.s32 s24, s9  }
0xf5: {  	[tilespmem:s21], [sflag:$0x2] =	stream.linear.gather [hbm4b:s24+s2], $0x80, $0x38;
	[tilespmem:$0x8480] =	vst v63  }
0xf6: {  	s21 =	simm.s32 $0x4080  }
0xf7: {  	s22 =	simm.s32 $0x20;
	s24 =	sadd.s32 $0x0, s10;
	s23 =	simm.s32 $0x4180  }
.LBB2_20:
0xf8: {  	[tilespmem:s21], [sflag:$0x4] =	stream.linear.gather [hbm4b:s24+s2], $0x80, $0x38;
	[tilespmem:$0x8480] =	vst v63  }
0xf9: {  	s24 =	smov.u32 s22;
	s21 =	smov.u32 s23;
	p0 =	sne.s32 s22, $0x7E0  }
.Ltmp9:
0xfa: {  	s22 =	sadd.s32 $0x20, s22;
	(pc) =	sbr.rel @p0 .LBB2_20-.Ltmp9, $2  }
0xfb: {  	_ =	sdelay $0x2  }
0xfc: {  	s23 =	sadd.s32 $0x100, s23;
	s24 =	sadd.s32 s24, s10  }
0xfd: {  	[tilespmem:s21], [sflag:$0x4] =	stream.linear.gather [hbm4b:s24+s2], $0x80, $0x38;
	[tilespmem:$0x8480] =	vst v63  }
0xfe: {  	_ =	swait.ge [sflag:s13], $0x2000  }
0xff: {  	[sflag:s13] =	ssyncset.done $0x0  }
0x100: {  	[sflag:s13] =	ssyncadd.s32 $0xFFFFE000  }
0x101: {  	_ =	swait.ge [sflag:s14], $0x2000  }
0x102: {  	[sflag:s14] =	ssyncset.done $0x0  }
0x103: {  	s21 =	simm.s32 $0x0;
	[sflag:s14] =	ssyncadd.s32 $0xFFFFE000  }
.LBB2_22:
0x104: {  	s22 =	sshra.s32 s21, $0x2  }
0x105: {  	v3 =	vld [tilespmem:s22+$0x0]  }
0x106: {  	v4 =	vld [tilespmem:s22+$0x4000];
	_ =	sdelay $0x3  }
0x107: {  	v3 =	vshll.u32 v3, $0x3  }
0x108: {  	v3 =	vadd.s32 v4, v3  }
0x109: {  	v3 =	vadd.s32 v1, v3;
	_ =	sdelay $0x4  }
0x10a: {  	[tilespmem:v3+s15+$0x0] =	vst.idx.add.f32.msk $0xffff, v2  }
0x10b: {  	v3 =	vld [tilespmem:s22+$0x10]  }
0x10c: {  	v57 =	vld [tilespmem:s22+$0x4010];
	_ =	sdelay $0x3  }
0x10d: {  	v3 =	vshll.u32 v3, $0x3  }
0x10e: {  	v3 =	vadd.s32 v57, v3  }
0x10f: {  	v3 =	vadd.s32 v1, v3;
	_ =	sdelay $0x4  }
0x110: {  	[tilespmem:v3+s15+$0x0] =	vst.idx.add.f32.msk $0xffff, v2  }
0x111: {  	v3 =	vld [tilespmem:s22+$0x20]  }
0x112: {  	v58 =	vld [tilespmem:s22+$0x4020];
	_ =	sdelay $0x3  }
0x113: {  	v3 =	vshll.u32 v3, $0x3  }
0x114: {  	v3 =	vadd.s32 v58, v3  }
0x115: {  	v3 =	vadd.s32 v1, v3;
	_ =	sdelay $0x4  }
0x116: {  	[tilespmem:v3+s15+$0x0] =	vst.idx.add.f32.msk $0xffff, v2  }
0x117: {  	v3 =	vld [tilespmem:s22+$0x30]  }
0x118: {  	v59 =	vld [tilespmem:s22+$0x4030];
	_ =	sdelay $0x3  }
0x119: {  	v3 =	vshll.u32 v3, $0x3  }
0x11a: {  	v3 =	vadd.s32 v59, v3  }
0x11b: {  	v3 =	vadd.s32 v1, v3;
	_ =	sdelay $0x4  }
0x11c: {  	[tilespmem:v3+s15+$0x0] =	vst.idx.add.f32.msk $0xffff, v2  }
0x11d: {  	v3 =	vld [tilespmem:s22+$0x40]  }
0x11e: {  	v60 =	vld [tilespmem:s22+$0x4040];
	_ =	sdelay $0x3  }
0x11f: {  	v3 =	vshll.u32 v3, $0x3  }
0x120: {  	v3 =	vadd.s32 v60, v3  }
0x121: {  	v3 =	vadd.s32 v1, v3;
	_ =	sdelay $0x4  }
0x122: {  	[tilespmem:v3+s15+$0x0] =	vst.idx.add.f32.msk $0xffff, v2  }
0x123: {  	v3 =	vld [tilespmem:s22+$0x50]  }
0x124: {  	v61 =	vld [tilespmem:s22+$0x4050];
	_ =	sdelay $0x3  }
0x125: {  	v3 =	vshll.u32 v3, $0x3  }
0x126: {  	v3 =	vadd.s32 v61, v3  }
0x127: {  	v3 =	vadd.s32 v1, v3;
	_ =	sdelay $0x4  }
0x128: {  	[tilespmem:v3+s15+$0x0] =	vst.idx.add.f32.msk $0xffff, v2  }
0x129: {  	v3 =	vld [tilespmem:s22+$0x60]  }
0x12a: {  	v62 =	vld [tilespmem:s22+$0x4060];
	_ =	sdelay $0x3  }
0x12b: {  	v3 =	vshll.u32 v3, $0x3  }
0x12c: {  	v3 =	vadd.s32 v62, v3  }
0x12d: {  	v3 =	vadd.s32 v1, v3;
	_ =	sdelay $0x4  }
0x12e: {  	[tilespmem:v3+s15+$0x0] =	vst.idx.add.f32.msk $0xffff, v2  }
0x12f: {  	v3 =	vld [tilespmem:s22+$0x70]  }
0x130: {  	v63 =	vld [tilespmem:s22+$0x4070];
	_ =	sdelay $0x3  }
0x131: {  	v3 =	vshll.u32 v3, $0x3  }
0x132: {  	v3 =	vadd.s32 v63, v3  }
0x133: {  	p0 =	sne.s32 s21, $0xFC00;
	v3 =	vadd.s32 v1, v3  }
.Ltmp10:
0x134: {  	_ = 	snop;
	(pc) =	sbr.rel @p0 .LBB2_22-.Ltmp10, $2  }
0x135: {  	_ =	sdelay $0x2  }
0x136: {  	s21 =	sadd.s32 $0x400, s21;
	[tilespmem:v3+s15+$0x0] =	vst.idx.add.f32.msk $0xffff, v2  }
0x137: {  	_ =	swait.ge [sflag:s16], $0x2000  }
0x138: {  	[sflag:s16] =	ssyncset.done $0x0  }
0x139: {  	[sflag:s16] =	ssyncadd.s32 $0xFFFFE000  }
0x13a: {  	_ =	swait.ge [sflag:s17], $0x2000  }
0x13b: {  	[sflag:s17] =	ssyncset.done $0x0  }
0x13c: {  	s21 =	simm.s32 $0x0;
	[sflag:s17] =	ssyncadd.s32 $0xFFFFE000  }
.LBB2_24:
0x13d: {  	s22 =	sshra.s32 s21, $0x2  }
0x13e: {  	v3 =	vld [tilespmem:s22+$0x80]  }
0x13f: {  	v4 =	vld [tilespmem:s22+$0x4080];
	_ =	sdelay $0x3  }
0x140: {  	v3 =	vshll.u32 v3, $0x3  }
0x141: {  	v3 =	vadd.s32 v4, v3  }
0x142: {  	v3 =	vadd.s32 v1, v3;
	_ =	sdelay $0x4  }
0x143: {  	[tilespmem:v3+s15+$0x0] =	vst.idx.add.f32.msk $0xffff, v2  }
0x144: {  	v3 =	vld [tilespmem:s22+$0x90]  }
0x145: {  	v57 =	vld [tilespmem:s22+$0x4090];
	_ =	sdelay $0x3  }
0x146: {  	v3 =	vshll.u32 v3, $0x3  }
0x147: {  	v3 =	vadd.s32 v57, v3  }
0x148: {  	v3 =	vadd.s32 v1, v3;
	_ =	sdelay $0x4  }
0x149: {  	[tilespmem:v3+s15+$0x0] =	vst.idx.add.f32.msk $0xffff, v2  }
0x14a: {  	v3 =	vld [tilespmem:s22+$0xA0]  }
0x14b: {  	v58 =	vld [tilespmem:s22+$0x40A0];
	_ =	sdelay $0x3  }
0x14c: {  	v3 =	vshll.u32 v3, $0x3  }
0x14d: {  	v3 =	vadd.s32 v58, v3  }
0x14e: {  	v3 =	vadd.s32 v1, v3;
	_ =	sdelay $0x4  }
0x14f: {  	[tilespmem:v3+s15+$0x0] =	vst.idx.add.f32.msk $0xffff, v2  }
0x150: {  	v3 =	vld [tilespmem:s22+$0xB0]  }
0x151: {  	v59 =	vld [tilespmem:s22+$0x40B0];
	_ =	sdelay $0x3  }
0x152: {  	v3 =	vshll.u32 v3, $0x3  }
0x153: {  	v3 =	vadd.s32 v59, v3  }
0x154: {  	v3 =	vadd.s32 v1, v3;
	_ =	sdelay $0x4  }
0x155: {  	[tilespmem:v3+s15+$0x0] =	vst.idx.add.f32.msk $0xffff, v2  }
0x156: {  	v3 =	vld [tilespmem:s22+$0xC0]  }
0x157: {  	v60 =	vld [tilespmem:s22+$0x40C0];
	_ =	sdelay $0x3  }
0x158: {  	v3 =	vshll.u32 v3, $0x3  }
0x159: {  	v3 =	vadd.s32 v60, v3  }
0x15a: {  	v3 =	vadd.s32 v1, v3;
	_ =	sdelay $0x4  }
0x15b: {  	[tilespmem:v3+s15+$0x0] =	vst.idx.add.f32.msk $0xffff, v2  }
0x15c: {  	v3 =	vld [tilespmem:s22+$0xD0]  }
0x15d: {  	v61 =	vld [tilespmem:s22+$0x40D0];
	_ =	sdelay $0x3  }
0x15e: {  	v3 =	vshll.u32 v3, $0x3  }
0x15f: {  	v3 =	vadd.s32 v61, v3  }
0x160: {  	v3 =	vadd.s32 v1, v3;
	_ =	sdelay $0x4  }
0x161: {  	[tilespmem:v3+s15+$0x0] =	vst.idx.add.f32.msk $0xffff, v2  }
0x162: {  	v3 =	vld [tilespmem:s22+$0xE0]  }
0x163: {  	v62 =	vld [tilespmem:s22+$0x40E0];
	_ =	sdelay $0x3  }
0x164: {  	v3 =	vshll.u32 v3, $0x3  }
0x165: {  	v3 =	vadd.s32 v62, v3  }
0x166: {  	v3 =	vadd.s32 v1, v3;
	_ =	sdelay $0x4  }
0x167: {  	[tilespmem:v3+s15+$0x0] =	vst.idx.add.f32.msk $0xffff, v2  }
0x168: {  	v3 =	vld [tilespmem:s22+$0xF0]  }
0x169: {  	v63 =	vld [tilespmem:s22+$0x40F0];
	_ =	sdelay $0x3  }
0x16a: {  	v3 =	vshll.u32 v3, $0x3  }
0x16b: {  	v3 =	vadd.s32 v63, v3  }
0x16c: {  	p0 =	sne.s32 s21, $0xFC00;
	v3 =	vadd.s32 v1, v3  }
.Ltmp11:
0x16d: {  	_ = 	snop;
	(pc) =	sbr.rel @p0 .LBB2_24-.Ltmp11, $2  }
0x16e: {  	_ =	sdelay $0x2  }
0x16f: {  	s21 =	sadd.s32 $0x400, s21;
	[tilespmem:v3+s15+$0x0] =	vst.idx.add.f32.msk $0xffff, v2  }
0x170: {  	v3 =	vld [tilespmem:$0x8000]  }
0x171: {  	v4 =	vld [tilespmem:$0x8040]  }
0x172: {  	v5 =	vld [tilespmem:$0x8080]  }
0x173: {  	v6 =	vld [tilespmem:$0x80C0]  }
0x174: {  	v7 =	vld [tilespmem:$0x8100]  }
0x175: {  	v8 =	vld [tilespmem:$0x8140]  }
0x176: {  	v9 =	vld [tilespmem:$0x8180]  }
0x177: {  	v10 =	vld [tilespmem:$0x81C0]  }
0x178: {  	v11 =	vld [tilespmem:$0x8200]  }
0x179: {  	v12 =	vld [tilespmem:$0x8240]  }
0x17a: {  	v13 =	vld [tilespmem:$0x8280]  }
0x17b: {  	v14 =	vld [tilespmem:$0x82C0]  }
0x17c: {  	v15 =	vld [tilespmem:$0x8300]  }
0x17d: {  	v16 =	vld [tilespmem:$0x8340]  }
0x17e: {  	v17 =	vld [tilespmem:$0x8380]  }
0x17f: {  	v18 =	vld [tilespmem:$0x83C0]  }
0x180: {  	v19 =	vld [tilespmem:$0x8010]  }
0x181: {  	v20 =	vld [tilespmem:$0x8050]  }
0x182: {  	v21 =	vld [tilespmem:$0x8090]  }
0x183: {  	v22 =	vld [tilespmem:$0x80D0]  }
0x184: {  	v23 =	vld [tilespmem:$0x8110]  }
0x185: {  	v24 =	vld [tilespmem:$0x8150]  }
0x186: {  	v25 =	vld [tilespmem:$0x8190]  }
0x187: {  	v26 =	vld [tilespmem:$0x81D0]  }
0x188: {  	v27 =	vld [tilespmem:$0x8210]  }
0x189: {  	v28 =	vld [tilespmem:$0x8250]  }
0x18a: {  	v29 =	vld [tilespmem:$0x8290]  }
0x18b: {  	v30 =	vld [tilespmem:$0x82D0]  }
0x18c: {  	v31 =	vld [tilespmem:$0x8310]  }
0x18d: {  	v32 =	vld [tilespmem:$0x8350]  }
0x18e: {  	v33 =	vld [tilespmem:$0x8390]  }
0x18f: {  	v35 =	vld [tilespmem:$0x8020]  }
0x190: {  	v36 =	vld [tilespmem:$0x8060]  }
0x191: {  	v37 =	vld [tilespmem:$0x8030]  }
0x192: {  	v38 =	vld [tilespmem:$0x8070]  }
0x193: {  	v39 =	vld [tilespmem:$0x80A0]  }
0x194: {  	v58 =	vld [tilespmem:$0x80B0]  }
0x195: {  	v34 =	vld [tilespmem:$0x83D0];
	v3 =	vadd.f32 v4, v3  }
0x196: {  	v61 =	vld [tilespmem:$0x80F0];
	v19 =	vadd.f32 v20, v19;
	v60 =	vadd.f32 v36, v35  }
0x197: {  	v59 =	vld [tilespmem:$0x80E0];
	v62 =	vadd.f32 v38, v37;
	v3 =	vadd.f32 v5, v3  }
0x198: {  	v19 =	vadd.f32 v21, v19;
	v5 =	vadd.f32 v39, v60;
	v39 =	vld [tilespmem:$0x8130]  }
0x199: {  	v63 =	vld [tilespmem:$0x8120];
	v4 =	vadd.f32 v58, v62;
	v3 =	vadd.f32 v6, v3  }
0x19a: {  	v41 =	vld [tilespmem:$0x8170];
	v19 =	vadd.f32 v22, v19  }
0x19b: {  	v40 =	vld [tilespmem:$0x8160];
	v4 =	vadd.f32 v61, v4;
	v3 =	vadd.f32 v7, v3  }
0x19c: {  	v43 =	vld [tilespmem:$0x81B0];
	v5 =	vadd.f32 v59, v5;
	v19 =	vadd.f32 v23, v19  }
0x19d: {  	v42 =	vld [tilespmem:$0x81A0];
	v4 =	vadd.f32 v39, v4;
	v3 =	vadd.f32 v8, v3  }
0x19e: {  	v45 =	vld [tilespmem:$0x81F0];
	v5 =	vadd.f32 v63, v5;
	v19 =	vadd.f32 v24, v19  }
0x19f: {  	v44 =	vld [tilespmem:$0x81E0];
	v4 =	vadd.f32 v41, v4;
	v3 =	vadd.f32 v9, v3  }
0x1a0: {  	v47 =	vld [tilespmem:$0x8230];
	v5 =	vadd.f32 v40, v5;
	v19 =	vadd.f32 v25, v19  }
0x1a1: {  	v46 =	vld [tilespmem:$0x8220];
	v4 =	vadd.f32 v43, v4;
	v3 =	vadd.f32 v10, v3  }
0x1a2: {  	v49 =	vld [tilespmem:$0x8270];
	v5 =	vadd.f32 v42, v5;
	v19 =	vadd.f32 v26, v19  }
0x1a3: {  	v48 =	vld [tilespmem:$0x8260];
	v4 =	vadd.f32 v45, v4;
	v3 =	vadd.f32 v11, v3  }
0x1a4: {  	v52 =	vld [tilespmem:$0x82B0];
	v5 =	vadd.f32 v44, v5;
	v50 =	vadd.f32 v27, v19  }
0x1a5: {  	v51 =	vld [tilespmem:$0x82A0];
	v4 =	vadd.f32 v47, v4;
	v3 =	vadd.f32 v12, v3  }
0x1a6: {  	v54 =	vld [tilespmem:$0x82F0];
	v5 =	vadd.f32 v46, v5;
	v11 =	vadd.f32 v28, v50  }
0x1a7: {  	v53 =	vld [tilespmem:$0x82E0];
	v4 =	vadd.f32 v49, v4;
	v3 =	vadd.f32 v13, v3  }
0x1a8: {  	v56 =	vld [tilespmem:$0x8330];
	v5 =	vadd.f32 v48, v5;
	v11 =	vadd.f32 v29, v11  }
0x1a9: {  	v55 =	vld [tilespmem:$0x8320];
	v4 =	vadd.f32 v52, v4;
	v3 =	vadd.f32 v14, v3  }
0x1aa: {  	v58 =	vld [tilespmem:$0x8370];
	v5 =	vadd.f32 v51, v5;
	v11 =	vadd.f32 v30, v11  }
0x1ab: {  	v57 =	vld [tilespmem:$0x8360];
	v4 =	vadd.f32 v54, v4;
	v3 =	vadd.f32 v15, v3  }
0x1ac: {  	v60 =	vld [tilespmem:$0x83B0];
	v5 =	vadd.f32 v53, v5;
	v11 =	vadd.f32 v31, v11  }
0x1ad: {  	v59 =	vld [tilespmem:$0x83A0];
	v4 =	vadd.f32 v56, v4;
	v3 =	vadd.f32 v16, v3  }
0x1ae: {  	v62 =	vld [tilespmem:$0x83F0];
	v5 =	vadd.f32 v55, v5;
	v11 =	vadd.f32 v32, v11  }
0x1af: {  	v61 =	vld [tilespmem:$0x83E0];
	v4 =	vadd.f32 v58, v4;
	v3 =	vadd.f32 v17, v3  }
0x1b0: {  	v5 =	vadd.f32 v57, v5;
	v11 =	vadd.f32 v33, v11  }
0x1b1: {  	v4 =	vadd.f32 v60, v4;
	v3 =	vadd.f32 v18, v3  }
0x1b2: {  	v5 =	vadd.f32 v59, v5;
	v63 =	vadd.f32 v34, v11  }
0x1b3: {  	v4 =	vadd.f32 v62, v4;
	[tilespmem:$0x8400] =	vst v3  }
0x1b4: {  	s20 =	sadd.s32 $0x1, s20;
	v3 =	vadd.f32 v61, v5;
	[tilespmem:$0x8410] =	vst v63  }
0x1b5: {  	p0 =	sne.s32 s20, s12;
	[tilespmem:$0x8430] =	vst v4  }
.Ltmp12:
0x1b6: {  	[tilespmem:$0x8420] =	vst v3;
	(pc) =	sbr.rel @p0 .LBB2_1-.Ltmp12, $4  }
0x1b7: {  	[hbm4b:s11+s2] =	stream.linear.scatter [tilespmem:s18], [sflag:$0x5], $0x40, $0x38;
	[tilespmem:$0x8480] =	vst v63  }
0x1b8: {  	_ =	swait.ge [sflag:s19], $0x40  }
0x1b9: {  	[sflag:s19] =	ssyncset.done $0x0  }
0x1ba: {  	[sflag:s19] =	ssyncadd.s32 $0xFFFFFFC0  }
0x1bb: {  	_ =	sfence.sel $0x180000  }
0x1bc: {  	[bflag:$0x0] =	sbarrier.arrive $0xFFFF  }
0x1bd: {  	p0 =	sne.s32 s1, $0x0;
	_ =	strace $0x90000047  }
0x1be: {  	s0 =	sadd.s32 @!p0 $0x100000, s0;
	[bflag:$0x2] =	sbarrier.arrive $0xFFFF  }
0x1bf: {  	[sflag:s0] =	ssyncadd.tile.s32 @!p0 $0x1;
	_ =	shalt  }
.Lfunc_end2:
_tile_overlayer_lowered:
.L_overlay_start_2:
0x1c0: {  	(tag) =	ssettag $0x2  }
0x1c1: {  	s0 =	rddreg [dreg:$0x0];
	s2 =	stileid.u32  }
0x1c2: {  	s1 =	rddreg [dreg:$0x1];
	p0 =	sne.s32 s2, $0x0  }
0x1c3: {  	s3 =	rddreg [dreg:$0x2];
	[bflag:$0x3] =	sbarrier.arrive $0xFFFF;
	s2 =	simm.s32 @!p0 $0x1C05  }
0x1c4: {  	[timem:s3], [sflag:s2] =	dma.local @!p0 [hbm:s0], s1  }
0x1c5: {  	s0 =	simm.s32 @!p0 $0x5  }
0x1c6: {  	_ =	swait.ge @!p0 [sflag:s0], s1  }
0x1c7: {  	s1 =	ssub.s32 @!p0 $0x0, s1;
	[sflag:s0] =	ssyncset.done @!p0 $0x0  }
0x1c8: {  	[sflag:s0] =	ssyncadd.s32 @!p0 s1  }
0x1c9: {  	[bflag:$0x3] =	sbarrier.arrive $0xFFFF  }
0x1ca: {  	_ =	shalt  }

</sc_bundles>
